<compile_context>
chip_gen: v7x
topology: tpu7x:2x2x1
jax: 0.10.2.dev20260603
libtpu: 0.0.44.dev20260713+nightly
codegen_flags: <defaults>
</compile_context>

<pallas_src>
import jax
import jax.numpy as jnp
from jax import lax
from jax.experimental import pallas as pl
from jax.experimental.pallas import tpu as pltpu
from jax.experimental.pallas import tpu_sc as plsc

B, H, W, C = 8, 112, 112, 96
N = B * H * W * C
M = B * (2 * H) * (2 * W) * C

NC, NS, LANES = 2, 16, 16
CHUNK = (2 ** 18) * 7
NCHUNK = M // CHUNK
CHUNKS_PER_CORE = -(-NCHUNK // NC)
ACC = CHUNK + NS * LANES
PER_TILE = N // NS
BLK = 2048
NBLK = PER_TILE // BLK
GRP = 4
NGRP = BLK // (GRP * LANES)
ZERO_WORDS = 2048
ZSLICE = ACC // NS
NZ_FULL = ZSLICE // ZERO_WORDS
Z_TAIL = ZSLICE - NZ_FULL * ZERO_WORDS
OUT_SLICE = CHUNK // NS
BATCH = 128
FLUSH_AT = 64


def _body(idx_hbm, val_hbm, out_hbm,
          buf_i, buf_v, dma_i, dma_v, zbuf, acc,
          isem0, isem1, fsem0, fsem1):
    c = lax.axis_index("c")
    s = lax.axis_index("s")
    in_base = s * PER_TILE
    lane = lax.broadcasted_iota(jnp.int32, (LANES,), 0)
    trash = jnp.int32(CHUNK) + s * LANES + lane
    ucap = jnp.uint32(CHUNK)

    def zb(i, carry):
        zbuf[pl.ds(i * LANES, LANES)] = jnp.zeros((LANES,), jnp.float32)
        return carry

    lax.fori_loop(0, ZERO_WORDS // LANES, zb, 0)

    def issue_flush(row, sem):
        pltpu.async_copy(dma_v.at[row], acc.at[dma_i.at[row]], sem, add=True)

    def wait_flush(row, sem):
        pltpu.make_async_copy(dma_v.at[row], acc.at[dma_i.at[row]], sem).wait()

    def pad_row(row, off, npad):
        for j in range(npad):
            pos = off + (j * 16) + lane
            plsc.store_scatter(dma_i.at[row], [pos], trash, mask=pos < BATCH)

    def in_src(b):
        return (idx_hbm.at[pl.ds(in_base + b * BLK, BLK)],
                val_hbm.at[pl.ds(in_base + b * BLK, BLK)])

    def chunk_body(j, carry):
        chunk_id = j * NC + c

        @pl.when(chunk_id < NCHUNK)
        def _():
            base = chunk_id * CHUNK
            zoff = s * ZSLICE

            def z(k, carry):
                pltpu.sync_copy(zbuf, acc.at[pl.ds(zoff + k * ZERO_WORDS,
                                                   ZERO_WORDS)])
                return carry

            lax.fori_loop(0, NZ_FULL, z, 0)
            pltpu.sync_copy(zbuf.at[pl.ds(0, Z_TAIL)],
                            acc.at[pl.ds(zoff + NZ_FULL * ZERO_WORDS, Z_TAIL)])
            plsc.subcore_barrier()

            src_i0, src_v0 = in_src(0)
            pltpu.async_copy(src_i0, buf_i.at[0], isem0)
            pltpu.async_copy(src_v0, buf_v.at[0], isem0)

            def blk_body(b, carry):
                off, fc = carry
                k = lax.rem(b, 2)
                src_i, src_v = in_src(b)

                @pl.when(k == 0)
                def _():
                    pltpu.make_async_copy(src_i, buf_i.at[0], isem0).wait()
                    pltpu.make_async_copy(src_v, buf_v.at[0], isem0).wait()

                    @pl.when(b + 1 < NBLK)
                    def _():
                        ni, nv = in_src(b + 1)
                        pltpu.async_copy(ni, buf_i.at[1], isem1)
                        pltpu.async_copy(nv, buf_v.at[1], isem1)

                @pl.when(k == 1)
                def _():
                    pltpu.make_async_copy(src_i, buf_i.at[1], isem1).wait()
                    pltpu.make_async_copy(src_v, buf_v.at[1], isem1).wait()

                    @pl.when(b + 1 < NBLK)
                    def _():
                        ni, nv = in_src(b + 1)
                        pltpu.async_copy(ni, buf_i.at[0], isem0)
                        pltpu.async_copy(nv, buf_v.at[0], isem0)

                def grp_body(g, carry):
                    off, fc = carry
                    fk = lax.rem(fc, 2)
                    for u in range(GRP):
                        iv = buf_i[k, pl.ds(g * (GRP * LANES) + u * LANES,
                                            LANES)]
                        vv = buf_v[k, pl.ds(g * (GRP * LANES) + u * LANES,
                                            LANES)]
                        rel = iv - base
                        mask = plsc.bitcast(rel, jnp.uint32) < ucap
                        plsc.store_compressed(dma_i.at[fk, pl.ds(off, LANES)],
                                              rel, mask=mask)
                        plsc.store_compressed(dma_v.at[fk, pl.ds(off, LANES)],
                                              vv, mask=mask)
                        cv = plsc.all_reduce_population_count(mask)
                        off = off + lax.squeeze(lax.slice(cv, (0,), (1,)),
                                                (0,))
                    do_flush = off >= FLUSH_AT

                    @pl.when(do_flush & (fk == 0))
                    def _():
                        pad_row(0, off, 4)
                        issue_flush(0, fsem0)

                        @pl.when(fc >= 1)
                        def _():
                            wait_flush(1, fsem1)

                    @pl.when(do_flush & (fk == 1))
                    def _():
                        pad_row(1, off, 4)
                        issue_flush(1, fsem1)

                        @pl.when(fc >= 1)
                        def _():
                            wait_flush(0, fsem0)

                    off = jnp.where(do_flush, jnp.int32(0), off)
                    fc = jnp.where(do_flush, fc + 1, fc)
                    return (off, fc)

                return lax.fori_loop(0, NGRP, grp_body, (off, fc))

            off, fc = lax.fori_loop(0, NBLK, blk_body,
                                    (jnp.int32(0), jnp.int32(0)))

            fk = lax.rem(fc, 2)
            did = off > 0

            @pl.when(did & (fk == 0))
            def _():
                pad_row(0, off, 8)
                issue_flush(0, fsem0)

            @pl.when(did & (fk == 1))
            def _():
                pad_row(1, off, 8)
                issue_flush(1, fsem1)

            @pl.when((fc >= 1) & (fk == 1))
            def _():
                wait_flush(0, fsem0)

            @pl.when((fc >= 1) & (fk == 0))
            def _():
                wait_flush(1, fsem1)

            @pl.when(did & (fk == 0))
            def _():
                wait_flush(0, fsem0)

            @pl.when(did & (fk == 1))
            def _():
                wait_flush(1, fsem1)

            plsc.subcore_barrier()
            pltpu.sync_copy(acc.at[pl.ds(s * OUT_SLICE, OUT_SLICE)],
                            out_hbm.at[pl.ds(base + s * OUT_SLICE, OUT_SLICE)])
            plsc.subcore_barrier()

        return carry

    lax.fori_loop(0, CHUNKS_PER_CORE, chunk_body, 0)


def kernel(inputs, argmax):
    flat_val = inputs.reshape(-1)
    flat_idx = argmax.reshape(-1).astype(jnp.int32)
    mesh = plsc.VectorSubcoreMesh(core_axis_name="c", subcore_axis_name="s")
    k = pl.kernel(
        _body,
        out_type=jax.ShapeDtypeStruct((M,), jnp.float32),
        mesh=mesh,
        compiler_params=pltpu.CompilerParams(needs_layout_passes=False),
        scratch_types=[
            pltpu.VMEM((2, BLK), jnp.int32),
            pltpu.VMEM((2, BLK), jnp.float32),
            pltpu.VMEM((2, BATCH), jnp.int32),
            pltpu.VMEM((2, BATCH), jnp.float32),
            pltpu.VMEM((ZERO_WORDS,), jnp.float32),
            pltpu.VMEM_SHARED((ACC,), jnp.float32),
            pltpu.SemaphoreType.DMA,
            pltpu.SemaphoreType.DMA,
            pltpu.SemaphoreType.DMA,
            pltpu.SemaphoreType.DMA,
        ],
    )
    out = k(flat_idx, flat_val)
    return out.reshape(B, 2 * H, 2 * W, C)

# --- scband reference (transcript-rebuilt; emitter-appended) ---
"""Pipeline reference for scband-max-unpooling2-d-25752623907022 (READ-ONLY COPY).

The authoritative reference and input builder live on the scoring server;
editing this copy changes nothing except your own understanding.
"""

import jax, jax.numpy as jnp
import numpy as np

B, H, W, C = 8, 112, 112, 96
OUT_TOTAL = B * (H * 2) * (W * 2) * C


def setup_inputs(seed: int = 0) -> dict:
    key = jax.random.key(seed)
    k1, k2 = jax.random.split(key)
    inputs = jax.random.normal(k1, (B, H, W, C), dtype=jnp.float32)
    argmax = jax.random.randint(k2, (B, H, W, C), 0, OUT_TOTAL, dtype=jnp.int64)
    return {"inputs": inputs, "argmax": argmax}


def reference(inputs, argmax):
    # Faithful translation of MaxUnpooling2D.call with output_shape=None:
    #   output_shape = (B, H*2, W*2, C)
    #   flat scatter_nd of flat_input at flat_argmax into zeros (duplicates sum, matching tf.scatter_nd)
    b, h, w, c = inputs.shape
    out_shape = (b, h * 2, w * 2, c)
    total = b * (h * 2) * (w * 2) * c
    flat_input = inputs.reshape(-1)
    flat_argmax = argmax.reshape(-1)
    output = jnp.zeros((total,), dtype=inputs.dtype).at[flat_argmax].add(flat_input)
    return output.reshape(out_shape)

if __name__ == "__main__":
    import jax
    _d = setup_inputs()
    print(jax.jit(kernel)(*tuple(_d.values())))

</pallas_src>

<mosaic_0001>
#map = affine_map<(d0, d1) -> (0)>
module attributes {stable_mosaic.version = 14 : i64} {
  func.func @_body(%arg0: i32, %arg1: i32, %arg2: memref<9633792xi32, #tpu.memory_space<hbm>>, %arg3: memref<9633792xf32, #tpu.memory_space<hbm>>, %arg4: memref<38535168xf32, #tpu.memory_space<hbm>>, %arg5: memref<2x2048xi32, #tpu.memory_space<vmem>>, %arg6: memref<2x2048xf32, #tpu.memory_space<vmem>>, %arg7: memref<2x128xi32, #tpu.memory_space<vmem>>, %arg8: memref<2x128xf32, #tpu.memory_space<vmem>>, %arg9: memref<2048xf32, #tpu.memory_space<vmem>>, %arg10: memref<1835264xf32, #tpu.memory_space<vmem_shared>>, %arg11: memref<!tpu.dma_semaphore, #tpu.memory_space<semaphore_mem>>, %arg12: memref<!tpu.dma_semaphore, #tpu.memory_space<semaphore_mem>>, %arg13: memref<!tpu.dma_semaphore, #tpu.memory_space<semaphore_mem>>, %arg14: memref<!tpu.dma_semaphore, #tpu.memory_space<semaphore_mem>>) attributes {dimension_semantics = [#tpu.dimension_semantics<core_parallel>, #tpu.dimension_semantics<subcore_parallel>], iteration_bounds = array<i64: 2, 16>, scalar_prefetch = 0 : i64, scratch_operands = 10 : i64, tpu.core_type = #tpu.core_type<sc_vector_subcore>, window_params = [{transform_indices = #map}, {transform_indices = #map}, {transform_indices = #map}]} {
    %mul3A = arith.constant 602112 : i32
    %mul3A_0 = arith.muli %arg1, %mul3A : i32
    %iota3A = tpu.iota {dimensions = array<i32: 0>} : vector<16xi32>
    %mul3A_1 = arith.constant 16 : i32
    %mul3A_2 = arith.muli %arg1, %mul3A_1 : i32
    %add3A = arith.constant 1835008 : i32
    %add3A_3 = arith.addi %add3A, %mul3A_2 : i32
    %add3A_4 = vector.broadcast %add3A_3 : i32 to vector<16xi32>
    %add3A_5 = arith.addi %add3A_4, %iota3A : vector<16xi32>
    %scan3A = arith.constant 0 : i32
    %scan3A_6 = arith.constant 0 : i32
    %scan3A_7 = arith.constant 128 : i32
    %scan3A_8 = arith.addi %scan3A_6, %scan3A_7 : i32
    %scan3A_9 = arith.constant 1 : i32
    scf.for %scan3A_18 = %scan3A_6 to %scan3A_8 step %scan3A_9  : i32 {
      %broadcast_in_dim3A = arith.constant 0.000000e+00 : f32
      %broadcast_in_dim3A_19 = vector.broadcast %broadcast_in_dim3A : f32 to vector<16xf32>
      %mul3A_20 = arith.constant 16 : i32
      %mul3A_21 = arith.muli %scan3A_18, %mul3A_20 : i32
      %swap3A = arith.index_cast %mul3A_21 : i32 to index
      %swap3A_22 = tpu.vector_load %arg9[%swap3A] {strides = array<i32>} : memref<2048xf32, #tpu.memory_space<vmem>>, vector<16xf32>,
      tpu.vector_store %arg9[%swap3A], %broadcast_in_dim3A_19 {strides = array<i32>} : memref<2048xf32, #tpu.memory_space<vmem>>, vector<16xf32>,
    }
    %scan3A_10 = arith.constant 128 : i32
    %scan3A_11 = arith.constant 0 : i32
    %scan3A_12 = arith.constant 1835008 : i32
    %scan3A_13 = arith.constant 0 : i32
    %scan3A_14 = arith.constant 11 : i32
    %scan3A_15 = arith.addi %scan3A_13, %scan3A_14 : i32
    %scan3A_16 = arith.constant 1 : i32
    scf.for %scan3A_18 = %scan3A_13 to %scan3A_15 step %scan3A_16  : i32 {
      %mul3A_19 = arith.constant 2 : i32
      %mul3A_20 = arith.muli %scan3A_18, %mul3A_19 : i32
      %add3A_21 = arith.addi %mul3A_20, %arg0 : i32
      %lt3A = arith.constant 21 : i32
      %lt3A_22 = arith.cmpi slt, %add3A_21, %lt3A : i32
      %convert_element_type3A = arith.extui %lt3A_22 : i1 to i32
      %cond3A = arith.constant 0 : i32
      %cond3A_23 = arith.cmpi ne, %convert_element_type3A, %cond3A : i32
      scf.if %cond3A_23 {
        %mul3A_24 = arith.constant 1835008 : i32
        %mul3A_25 = arith.muli %add3A_21, %mul3A_24 : i32
        %mul3A_26 = arith.constant 114704 : i32
        %mul3A_27 = arith.muli %arg1, %mul3A_26 : i32
        %scan3A_28 = arith.constant 0 : i32
        %scan3A_29 = arith.constant 0 : i32
        %scan3A_30 = arith.constant 56 : i32
        %scan3A_31 = arith.addi %scan3A_29, %scan3A_30 : i32
        %scan3A_32 = arith.constant 1 : i32
        scf.for %scan3A_111 = %scan3A_29 to %scan3A_31 step %scan3A_32  : i32 {
          %mul3A_112 = arith.constant 2048 : i32
          %mul3A_113 = arith.muli %scan3A_111, %mul3A_112 : i32
          %add3A_114 = arith.addi %mul3A_27, %mul3A_113 : i32
          "tpu.region"() ({
            %run_scoped3A = tpu.sem_alloc : memref<!tpu.dma_semaphore, #tpu.memory_space<semaphore_mem>>
            %dma_start3A_115 = tpu.memref_slice %arg10[%add3A_114] : memref<1835264xf32, #tpu.memory_space<vmem_shared>> -> memref<2048xf32, #tpu.memory_space<vmem_shared>>
            %dma_start3A_116 = tpu.memref_slice %arg10[%add3A_114] : memref<1835264xf32, #tpu.memory_space<vmem_shared>> -> memref<2048xf32, #tpu.memory_space<vmem_shared>>
            tpu.enqueue_dma source(%arg9 : memref<2048xf32, #tpu.memory_space<vmem>>) target(%dma_start3A_116 : memref<2048xf32, #tpu.memory_space<vmem_shared>>) target_semaphore(%run_scoped3A : memref<!tpu.dma_semaphore, #tpu.memory_space<semaphore_mem>>)
            %dma_wait3A = tpu.memref_slice %arg10[%add3A_114] : memref<1835264xf32, #tpu.memory_space<vmem_shared>> -> memref<2048xf32, #tpu.memory_space<vmem_shared>>
            %dma_wait3A_117 = tpu.memref_slice %arg10[%add3A_114] : memref<1835264xf32, #tpu.memory_space<vmem_shared>> -> memref<2048xf32, #tpu.memory_space<vmem_shared>>
            tpu.wait_dma2 semaphore(%run_scoped3A : memref<!tpu.dma_semaphore, #tpu.memory_space<semaphore_mem>>) src(%arg9 : memref<2048xf32, #tpu.memory_space<vmem>>) dst(%dma_wait3A_117 : memref<2048xf32, #tpu.memory_space<vmem_shared>>)
            tpu.yield
          }) : () -> ()
        }
        %scan3A_33 = arith.constant 56 : i32
        %add3A_34 = arith.constant 114688 : i32
        %add3A_35 = arith.addi %mul3A_27, %add3A_34 : i32
        "tpu.region"() ({
          %run_scoped3A = tpu.sem_alloc : memref<!tpu.dma_semaphore, #tpu.memory_space<semaphore_mem>>
          %dma_start3A_111 = arith.constant 0 : i32
          %dma_start3A_112 = tpu.memref_slice %arg9[%dma_start3A_111] : memref<2048xf32, #tpu.memory_space<vmem>> -> memref<16xf32, #tpu.memory_space<vmem>>
          %dma_start3A_113 = tpu.memref_slice %arg10[%add3A_35] : memref<1835264xf32, #tpu.memory_space<vmem_shared>> -> memref<16xf32, #tpu.memory_space<vmem_shared>>
          %dma_start3A_114 = tpu.memref_slice %arg10[%add3A_35] : memref<1835264xf32, #tpu.memory_space<vmem_shared>> -> memref<16xf32, #tpu.memory_space<vmem_shared>>
          %dma_start3A_115 = arith.constant 0 : i32
          %dma_start3A_116 = tpu.memref_slice %arg9[%dma_start3A_115] : memref<2048xf32, #tpu.memory_space<vmem>> -> memref<16xf32, #tpu.memory_space<vmem>>
          tpu.enqueue_dma source(%dma_start3A_116 : memref<16xf32, #tpu.memory_space<vmem>>) target(%dma_start3A_114 : memref<16xf32, #tpu.memory_space<vmem_shared>>) target_semaphore(%run_scoped3A : memref<!tpu.dma_semaphore, #tpu.memory_space<semaphore_mem>>)
          %dma_wait3A = arith.constant 0 : i32
          %dma_wait3A_117 = tpu.memref_slice %arg9[%dma_wait3A] : memref<2048xf32, #tpu.memory_space<vmem>> -> memref<16xf32, #tpu.memory_space<vmem>>
          %dma_wait3A_118 = tpu.memref_slice %arg10[%add3A_35] : memref<1835264xf32, #tpu.memory_space<vmem_shared>> -> memref<16xf32, #tpu.memory_space<vmem_shared>>
          %dma_wait3A_119 = tpu.memref_slice %arg10[%add3A_35] : memref<1835264xf32, #tpu.memory_space<vmem_shared>> -> memref<16xf32, #tpu.memory_space<vmem_shared>>
          %dma_wait3A_120 = arith.constant 0 : i32
          %dma_wait3A_121 = tpu.memref_slice %arg9[%dma_wait3A_120] : memref<2048xf32, #tpu.memory_space<vmem>> -> memref<16xf32, #tpu.memory_space<vmem>>
          tpu.wait_dma2 semaphore(%run_scoped3A : memref<!tpu.dma_semaphore, #tpu.memory_space<semaphore_mem>>) src(%dma_wait3A_121 : memref<16xf32, #tpu.memory_space<vmem>>) dst(%dma_wait3A_119 : memref<16xf32, #tpu.memory_space<vmem_shared>>)
          tpu.yield
        }) : () -> ()
        %barrier3A = arith.constant 0 : index
        tpu.barrier barrier_id(%barrier3A)
        %add3A_36 = arith.constant 0 : i32
        %add3A_37 = arith.addi %mul3A_0, %add3A_36 : i32
        %add3A_38 = arith.constant 0 : i32
        %add3A_39 = arith.addi %mul3A_0, %add3A_38 : i32
        %dma_start3A = arith.constant 0 : i32
        %dma_start3A_40 = arith.constant 0 : i32
        %dma_start3A_41 = tpu.memref_slice %arg5[%dma_start3A, %dma_start3A_40] : memref<2x2048xi32, #tpu.memory_space<vmem>> -> memref<1x2048xi32, #tpu.memory_space<vmem>>
        %dma_start3A_42 = tpu.memref_squeeze %dma_start3A_41 : memref<1x2048xi32, #tpu.memory_space<vmem>> -> memref<2048xi32, #tpu.memory_space<vmem>>
        %dma_start3A_43 = tpu.memref_slice %arg2[%add3A_37] : memref<9633792xi32, #tpu.memory_space<hbm>> -> memref<2048xi32, #tpu.memory_space<hbm>>
        %dma_start3A_44 = arith.constant 0 : i32
        %dma_start3A_45 = tpu.memref_slice %arg5[%dma_start3A, %dma_start3A_44] : memref<2x2048xi32, #tpu.memory_space<vmem>> -> memref<1x2048xi32, #tpu.memory_space<vmem>>
        %dma_start3A_46 = tpu.memref_squeeze %dma_start3A_45 : memref<1x2048xi32, #tpu.memory_space<vmem>> -> memref<2048xi32, #tpu.memory_space<vmem>>
        %dma_start3A_47 = tpu.memref_slice %arg2[%add3A_37] : memref<9633792xi32, #tpu.memory_space<hbm>> -> memref<2048xi32, #tpu.memory_space<hbm>>
        tpu.enqueue_dma source(%dma_start3A_47 : memref<2048xi32, #tpu.memory_space<hbm>>) target(%dma_start3A_46 : memref<2048xi32, #tpu.memory_space<vmem>>) target_semaphore(%arg11 : memref<!tpu.dma_semaphore, #tpu.memory_space<semaphore_mem>>)
        %dma_start3A_48 = arith.constant 0 : i32
        %dma_start3A_49 = arith.constant 0 : i32
        %dma_start3A_50 = tpu.memref_slice %arg6[%dma_start3A_48, %dma_start3A_49] : memref<2x2048xf32, #tpu.memory_space<vmem>> -> memref<1x2048xf32, #tpu.memory_space<vmem>>
        %dma_start3A_51 = tpu.memref_squeeze %dma_start3A_50 : memref<1x2048xf32, #tpu.memory_space<vmem>> -> memref<2048xf32, #tpu.memory_space<vmem>>
        %dma_start3A_52 = tpu.memref_slice %arg3[%add3A_39] : memref<9633792xf32, #tpu.memory_space<hbm>> -> memref<2048xf32, #tpu.memory_space<hbm>>
        %dma_start3A_53 = arith.constant 0 : i32
        %dma_start3A_54 = tpu.memref_slice %arg6[%dma_start3A_48, %dma_start3A_53] : memref<2x2048xf32, #tpu.memory_space<vmem>> -> memref<1x2048xf32, #tpu.memory_space<vmem>>
        %dma_start3A_55 = tpu.memref_squeeze %dma_start3A_54 : memref<1x2048xf32, #tpu.memory_space<vmem>> -> memref<2048xf32, #tpu.memory_space<vmem>>
        %dma_start3A_56 = tpu.memref_slice %arg3[%add3A_39] : memref<9633792xf32, #tpu.memory_space<hbm>> -> memref<2048xf32, #tpu.memory_space<hbm>>
        tpu.enqueue_dma source(%dma_start3A_56 : memref<2048xf32, #tpu.memory_space<hbm>>) target(%dma_start3A_55 : memref<2048xf32, #tpu.memory_space<vmem>>) target_semaphore(%arg11 : memref<!tpu.dma_semaphore, #tpu.memory_space<semaphore_mem>>)
        %scan3A_57 = arith.constant 0 : i32
        %scan3A_58 = arith.constant 0 : i32
        %scan3A_59 = arith.constant 0 : i32
        %scan3A_60 = arith.constant 294 : i32
        %scan3A_61 = arith.addi %scan3A_59, %scan3A_60 : i32
        %scan3A_62 = arith.constant 1 : i32
        %scan3A_63:2 = scf.for %scan3A_111 = %scan3A_59 to %scan3A_61 step %scan3A_62 iter_args(%scan3A_112 = %scan3A_57, %scan3A_113 = %scan3A_58) -> (i32, i32)  : i32 {
          %rem3A_114 = arith.constant 2 : i32
          %rem3A_115 = arith.remsi %scan3A_111, %rem3A_114 : i32
          %mul3A_116 = arith.constant 2048 : i32
          %mul3A_117 = arith.muli %scan3A_111, %mul3A_116 : i32
          %add3A_118 = arith.addi %mul3A_0, %mul3A_117 : i32
          %mul3A_119 = arith.constant 2048 : i32
          %mul3A_120 = arith.muli %scan3A_111, %mul3A_119 : i32
          %add3A_121 = arith.addi %mul3A_0, %mul3A_120 : i32
          %eq3A_122 = arith.constant 0 : i32
          %eq3A_123 = arith.cmpi eq, %rem3A_115, %eq3A_122 : i32
          %convert_element_type3A_124 = arith.extui %eq3A_123 : i1 to i32
          %cond3A_125 = arith.constant 0 : i32
          %cond3A_126 = arith.cmpi ne, %convert_element_type3A_124, %cond3A_125 : i32
          scf.if %cond3A_126 {
            %dma_wait3A = arith.constant 0 : i32
            %dma_wait3A_138 = arith.constant 0 : i32
            %dma_wait3A_139 = tpu.memref_slice %arg5[%dma_wait3A, %dma_wait3A_138] : memref<2x2048xi32, #tpu.memory_space<vmem>> -> memref<1x2048xi32, #tpu.memory_space<vmem>>
            %dma_wait3A_140 = tpu.memref_squeeze %dma_wait3A_139 : memref<1x2048xi32, #tpu.memory_space<vmem>> -> memref<2048xi32, #tpu.memory_space<vmem>>
            %dma_wait3A_141 = tpu.memref_slice %arg2[%add3A_118] : memref<9633792xi32, #tpu.memory_space<hbm>> -> memref<2048xi32, #tpu.memory_space<hbm>>
            %dma_wait3A_142 = arith.constant 0 : i32
            %dma_wait3A_143 = tpu.memref_slice %arg5[%dma_wait3A, %dma_wait3A_142] : memref<2x2048xi32, #tpu.memory_space<vmem>> -> memref<1x2048xi32, #tpu.memory_space<vmem>>
            %dma_wait3A_144 = tpu.memref_squeeze %dma_wait3A_143 : memref<1x2048xi32, #tpu.memory_space<vmem>> -> memref<2048xi32, #tpu.memory_space<vmem>>
            %dma_wait3A_145 = tpu.memref_slice %arg2[%add3A_118] : memref<9633792xi32, #tpu.memory_space<hbm>> -> memref<2048xi32, #tpu.memory_space<hbm>>
            tpu.wait_dma2 semaphore(%arg11 : memref<!tpu.dma_semaphore, #tpu.memory_space<semaphore_mem>>) src(%dma_wait3A_145 : memref<2048xi32, #tpu.memory_space<hbm>>) dst(%dma_wait3A_144 : memref<2048xi32, #tpu.memory_space<vmem>>)
            %dma_wait3A_146 = arith.constant 0 : i32
            %dma_wait3A_147 = arith.constant 0 : i32
            %dma_wait3A_148 = tpu.memref_slice %arg6[%dma_wait3A_146, %dma_wait3A_147] : memref<2x2048xf32, #tpu.memory_space<vmem>> -> memref<1x2048xf32, #tpu.memory_space<vmem>>
            %dma_wait3A_149 = tpu.memref_squeeze %dma_wait3A_148 : memref<1x2048xf32, #tpu.memory_space<vmem>> -> memref<2048xf32, #tpu.memory_space<vmem>>
            %dma_wait3A_150 = tpu.memref_slice %arg3[%add3A_121] : memref<9633792xf32, #tpu.memory_space<hbm>> -> memref<2048xf32, #tpu.memory_space<hbm>>
            %dma_wait3A_151 = arith.constant 0 : i32
            %dma_wait3A_152 = tpu.memref_slice %arg6[%dma_wait3A_146, %dma_wait3A_151] : memref<2x2048xf32, #tpu.memory_space<vmem>> -> memref<1x2048xf32, #tpu.memory_space<vmem>>
            %dma_wait3A_153 = tpu.memref_squeeze %dma_wait3A_152 : memref<1x2048xf32, #tpu.memory_space<vmem>> -> memref<2048xf32, #tpu.memory_space<vmem>>
            %dma_wait3A_154 = tpu.memref_slice %arg3[%add3A_121] : memref<9633792xf32, #tpu.memory_space<hbm>> -> memref<2048xf32, #tpu.memory_space<hbm>>
            tpu.wait_dma2 semaphore(%arg11 : memref<!tpu.dma_semaphore, #tpu.memory_space<semaphore_mem>>) src(%dma_wait3A_154 : memref<2048xf32, #tpu.memory_space<hbm>>) dst(%dma_wait3A_153 : memref<2048xf32, #tpu.memory_space<vmem>>)
            %add3A_155 = arith.constant 1 : i32
            %add3A_156 = arith.addi %scan3A_111, %add3A_155 : i32
            %lt3A_157 = arith.constant 294 : i32
            %lt3A_158 = arith.cmpi slt, %add3A_156, %lt3A_157 : i32
            %convert_element_type3A_159 = arith.extui %lt3A_158 : i1 to i32
            %cond3A_160 = arith.constant 0 : i32
            %cond3A_161 = arith.cmpi ne, %convert_element_type3A_159, %cond3A_160 : i32
            scf.if %cond3A_161 {
              %add3A_162 = arith.constant 1 : i32
              %add3A_163 = arith.addi %scan3A_111, %add3A_162 : i32
              %mul3A_164 = arith.constant 2048 : i32
              %mul3A_165 = arith.muli %add3A_163, %mul3A_164 : i32
              %add3A_166 = arith.addi %mul3A_0, %mul3A_165 : i32
              %mul3A_167 = arith.constant 2048 : i32
              %mul3A_168 = arith.muli %add3A_163, %mul3A_167 : i32
              %add3A_169 = arith.addi %mul3A_0, %mul3A_168 : i32
              %dma_start3A_170 = arith.constant 1 : i32
              %dma_start3A_171 = arith.constant 0 : i32
              %dma_start3A_172 = tpu.memref_slice %arg5[%dma_start3A_170, %dma_start3A_171] : memref<2x2048xi32, #tpu.memory_space<vmem>> -> memref<1x2048xi32, #tpu.memory_space<vmem>>
              %dma_start3A_173 = tpu.memref_squeeze %dma_start3A_172 : memref<1x2048xi32, #tpu.memory_space<vmem>> -> memref<2048xi32, #tpu.memory_space<vmem>>
              %dma_start3A_174 = tpu.memref_slice %arg2[%add3A_166] : memref<9633792xi32, #tpu.memory_space<hbm>> -> memref<2048xi32, #tpu.memory_space<hbm>>
              %dma_start3A_175 = arith.constant 0 : i32
              %dma_start3A_176 = tpu.memref_slice %arg5[%dma_start3A_170, %dma_start3A_175] : memref<2x2048xi32, #tpu.memory_space<vmem>> -> memref<1x2048xi32, #tpu.memory_space<vmem>>
              %dma_start3A_177 = tpu.memref_squeeze %dma_start3A_176 : memref<1x2048xi32, #tpu.memory_space<vmem>> -> memref<2048xi32, #tpu.memory_space<vmem>>
              %dma_start3A_178 = tpu.memref_slice %arg2[%add3A_166] : memref<9633792xi32, #tpu.memory_space<hbm>> -> memref<2048xi32, #tpu.memory_space<hbm>>
              tpu.enqueue_dma source(%dma_start3A_178 : memref<2048xi32, #tpu.memory_space<hbm>>) target(%dma_start3A_177 : memref<2048xi32, #tpu.memory_space<vmem>>) target_semaphore(%arg12 : memref<!tpu.dma_semaphore, #tpu.memory_space<semaphore_mem>>)
              %dma_start3A_179 = arith.constant 1 : i32
              %dma_start3A_180 = arith.constant 0 : i32
              %dma_start3A_181 = tpu.memref_slice %arg6[%dma_start3A_179, %dma_start3A_180] : memref<2x2048xf32, #tpu.memory_space<vmem>> -> memref<1x2048xf32, #tpu.memory_space<vmem>>
              %dma_start3A_182 = tpu.memref_squeeze %dma_start3A_181 : memref<1x2048xf32, #tpu.memory_space<vmem>> -> memref<2048xf32, #tpu.memory_space<vmem>>
              %dma_start3A_183 = tpu.memref_slice %arg3[%add3A_169] : memref<9633792xf32, #tpu.memory_space<hbm>> -> memref<2048xf32, #tpu.memory_space<hbm>>
              %dma_start3A_184 = arith.constant 0 : i32
              %dma_start3A_185 = tpu.memref_slice %arg6[%dma_start3A_179, %dma_start3A_184] : memref<2x2048xf32, #tpu.memory_space<vmem>> -> memref<1x2048xf32, #tpu.memory_space<vmem>>
              %dma_start3A_186 = tpu.memref_squeeze %dma_start3A_185 : memref<1x2048xf32, #tpu.memory_space<vmem>> -> memref<2048xf32, #tpu.memory_space<vmem>>
              %dma_start3A_187 = tpu.memref_slice %arg3[%add3A_169] : memref<9633792xf32, #tpu.memory_space<hbm>> -> memref<2048xf32, #tpu.memory_space<hbm>>
              tpu.enqueue_dma source(%dma_start3A_187 : memref<2048xf32, #tpu.memory_space<hbm>>) target(%dma_start3A_186 : memref<2048xf32, #tpu.memory_space<vmem>>) target_semaphore(%arg12 : memref<!tpu.dma_semaphore, #tpu.memory_space<semaphore_mem>>)
            } else {
            }
          } else {
          }
          %eq3A_127 = arith.constant 1 : i32
          %eq3A_128 = arith.cmpi eq, %rem3A_115, %eq3A_127 : i32
          %convert_element_type3A_129 = arith.extui %eq3A_128 : i1 to i32
          %cond3A_130 = arith.constant 0 : i32
          %cond3A_131 = arith.cmpi ne, %convert_element_type3A_129, %cond3A_130 : i32
          scf.if %cond3A_131 {
            %dma_wait3A = arith.constant 1 : i32
            %dma_wait3A_138 = arith.constant 0 : i32
            %dma_wait3A_139 = tpu.memref_slice %arg5[%dma_wait3A, %dma_wait3A_138] : memref<2x2048xi32, #tpu.memory_space<vmem>> -> memref<1x2048xi32, #tpu.memory_space<vmem>>
            %dma_wait3A_140 = tpu.memref_squeeze %dma_wait3A_139 : memref<1x2048xi32, #tpu.memory_space<vmem>> -> memref<2048xi32, #tpu.memory_space<vmem>>
            %dma_wait3A_141 = tpu.memref_slice %arg2[%add3A_118] : memref<9633792xi32, #tpu.memory_space<hbm>> -> memref<2048xi32, #tpu.memory_space<hbm>>
            %dma_wait3A_142 = arith.constant 0 : i32
            %dma_wait3A_143 = tpu.memref_slice %arg5[%dma_wait3A, %dma_wait3A_142] : memref<2x2048xi32, #tpu.memory_space<vmem>> -> memref<1x2048xi32, #tpu.memory_space<vmem>>
            %dma_wait3A_144 = tpu.memref_squeeze %dma_wait3A_143 : memref<1x2048xi32, #tpu.memory_space<vmem>> -> memref<2048xi32, #tpu.memory_space<vmem>>
            %dma_wait3A_145 = tpu.memref_slice %arg2[%add3A_118] : memref<9633792xi32, #tpu.memory_space<hbm>> -> memref<2048xi32, #tpu.memory_space<hbm>>
            tpu.wait_dma2 semaphore(%arg12 : memref<!tpu.dma_semaphore, #tpu.memory_space<semaphore_mem>>) src(%dma_wait3A_145 : memref<2048xi32, #tpu.memory_space<hbm>>) dst(%dma_wait3A_144 : memref<2048xi32, #tpu.memory_space<vmem>>)
            %dma_wait3A_146 = arith.constant 1 : i32
            %dma_wait3A_147 = arith.constant 0 : i32
            %dma_wait3A_148 = tpu.memref_slice %arg6[%dma_wait3A_146, %dma_wait3A_147] : memref<2x2048xf32, #tpu.memory_space<vmem>> -> memref<1x2048xf32, #tpu.memory_space<vmem>>
            %dma_wait3A_149 = tpu.memref_squeeze %dma_wait3A_148 : memref<1x2048xf32, #tpu.memory_space<vmem>> -> memref<2048xf32, #tpu.memory_space<vmem>>
            %dma_wait3A_150 = tpu.memref_slice %arg3[%add3A_121] : memref<9633792xf32, #tpu.memory_space<hbm>> -> memref<2048xf32, #tpu.memory_space<hbm>>
            %dma_wait3A_151 = arith.constant 0 : i32
            %dma_wait3A_152 = tpu.memref_slice %arg6[%dma_wait3A_146, %dma_wait3A_151] : memref<2x2048xf32, #tpu.memory_space<vmem>> -> memref<1x2048xf32, #tpu.memory_space<vmem>>
            %dma_wait3A_153 = tpu.memref_squeeze %dma_wait3A_152 : memref<1x2048xf32, #tpu.memory_space<vmem>> -> memref<2048xf32, #tpu.memory_space<vmem>>
            %dma_wait3A_154 = tpu.memref_slice %arg3[%add3A_121] : memref<9633792xf32, #tpu.memory_space<hbm>> -> memref<2048xf32, #tpu.memory_space<hbm>>
            tpu.wait_dma2 semaphore(%arg12 : memref<!tpu.dma_semaphore, #tpu.memory_space<semaphore_mem>>) src(%dma_wait3A_154 : memref<2048xf32, #tpu.memory_space<hbm>>) dst(%dma_wait3A_153 : memref<2048xf32, #tpu.memory_space<vmem>>)
            %add3A_155 = arith.constant 1 : i32
            %add3A_156 = arith.addi %scan3A_111, %add3A_155 : i32
            %lt3A_157 = arith.constant 294 : i32
            %lt3A_158 = arith.cmpi slt, %add3A_156, %lt3A_157 : i32
            %convert_element_type3A_159 = arith.extui %lt3A_158 : i1 to i32
            %cond3A_160 = arith.constant 0 : i32
            %cond3A_161 = arith.cmpi ne, %convert_element_type3A_159, %cond3A_160 : i32
            scf.if %cond3A_161 {
              %add3A_162 = arith.constant 1 : i32
              %add3A_163 = arith.addi %scan3A_111, %add3A_162 : i32
              %mul3A_164 = arith.constant 2048 : i32
              %mul3A_165 = arith.muli %add3A_163, %mul3A_164 : i32
              %add3A_166 = arith.addi %mul3A_0, %mul3A_165 : i32
              %mul3A_167 = arith.constant 2048 : i32
              %mul3A_168 = arith.muli %add3A_163, %mul3A_167 : i32
              %add3A_169 = arith.addi %mul3A_0, %mul3A_168 : i32
              %dma_start3A_170 = arith.constant 0 : i32
              %dma_start3A_171 = arith.constant 0 : i32
              %dma_start3A_172 = tpu.memref_slice %arg5[%dma_start3A_170, %dma_start3A_171] : memref<2x2048xi32, #tpu.memory_space<vmem>> -> memref<1x2048xi32, #tpu.memory_space<vmem>>
              %dma_start3A_173 = tpu.memref_squeeze %dma_start3A_172 : memref<1x2048xi32, #tpu.memory_space<vmem>> -> memref<2048xi32, #tpu.memory_space<vmem>>
              %dma_start3A_174 = tpu.memref_slice %arg2[%add3A_166] : memref<9633792xi32, #tpu.memory_space<hbm>> -> memref<2048xi32, #tpu.memory_space<hbm>>
              %dma_start3A_175 = arith.constant 0 : i32
              %dma_start3A_176 = tpu.memref_slice %arg5[%dma_start3A_170, %dma_start3A_175] : memref<2x2048xi32, #tpu.memory_space<vmem>> -> memref<1x2048xi32, #tpu.memory_space<vmem>>
              %dma_start3A_177 = tpu.memref_squeeze %dma_start3A_176 : memref<1x2048xi32, #tpu.memory_space<vmem>> -> memref<2048xi32, #tpu.memory_space<vmem>>
              %dma_start3A_178 = tpu.memref_slice %arg2[%add3A_166] : memref<9633792xi32, #tpu.memory_space<hbm>> -> memref<2048xi32, #tpu.memory_space<hbm>>
              tpu.enqueue_dma source(%dma_start3A_178 : memref<2048xi32, #tpu.memory_space<hbm>>) target(%dma_start3A_177 : memref<2048xi32, #tpu.memory_space<vmem>>) target_semaphore(%arg11 : memref<!tpu.dma_semaphore, #tpu.memory_space<semaphore_mem>>)
              %dma_start3A_179 = arith.constant 0 : i32
              %dma_start3A_180 = arith.constant 0 : i32
              %dma_start3A_181 = tpu.memref_slice %arg6[%dma_start3A_179, %dma_start3A_180] : memref<2x2048xf32, #tpu.memory_space<vmem>> -> memref<1x2048xf32, #tpu.memory_space<vmem>>
              %dma_start3A_182 = tpu.memref_squeeze %dma_start3A_181 : memref<1x2048xf32, #tpu.memory_space<vmem>> -> memref<2048xf32, #tpu.memory_space<vmem>>
              %dma_start3A_183 = tpu.memref_slice %arg3[%add3A_169] : memref<9633792xf32, #tpu.memory_space<hbm>> -> memref<2048xf32, #tpu.memory_space<hbm>>
              %dma_start3A_184 = arith.constant 0 : i32
              %dma_start3A_185 = tpu.memref_slice %arg6[%dma_start3A_179, %dma_start3A_184] : memref<2x2048xf32, #tpu.memory_space<vmem>> -> memref<1x2048xf32, #tpu.memory_space<vmem>>
              %dma_start3A_186 = tpu.memref_squeeze %dma_start3A_185 : memref<1x2048xf32, #tpu.memory_space<vmem>> -> memref<2048xf32, #tpu.memory_space<vmem>>
              %dma_start3A_187 = tpu.memref_slice %arg3[%add3A_169] : memref<9633792xf32, #tpu.memory_space<hbm>> -> memref<2048xf32, #tpu.memory_space<hbm>>
              tpu.enqueue_dma source(%dma_start3A_187 : memref<2048xf32, #tpu.memory_space<hbm>>) target(%dma_start3A_186 : memref<2048xf32, #tpu.memory_space<vmem>>) target_semaphore(%arg11 : memref<!tpu.dma_semaphore, #tpu.memory_space<semaphore_mem>>)
            } else {
            }
          } else {
          }
          %scan3A_132 = arith.constant 0 : i32
          %scan3A_133 = arith.constant 32 : i32
          %scan3A_134 = arith.addi %scan3A_132, %scan3A_133 : i32
          %scan3A_135 = arith.constant 1 : i32
          %scan3A_136:2 = scf.for %scan3A_138 = %scan3A_132 to %scan3A_134 step %scan3A_135 iter_args(%scan3A_139 = %scan3A_112, %scan3A_140 = %scan3A_113) -> (i32, i32)  : i32 {
            %rem3A_141 = arith.constant 2 : i32
            %rem3A_142 = arith.remsi %scan3A_140, %rem3A_141 : i32
            %mul3A_143 = arith.constant 64 : i32
            %mul3A_144 = arith.muli %scan3A_138, %mul3A_143 : i32
            %add3A_145 = arith.constant 0 : i32
            %add3A_146 = arith.addi %mul3A_144, %add3A_145 : i32
            %get3A = arith.index_cast %rem3A_115 : i32 to index
            %get3A_147 = arith.index_cast %add3A_146 : i32 to index
            %get3A_148 = tpu.vector_load %arg5[%get3A, %get3A_147] {strides = array<i32>} : memref<2x2048xi32, #tpu.memory_space<vmem>>, vector<16xi32>,
            %mul3A_149 = arith.constant 64 : i32
            %mul3A_150 = arith.muli %scan3A_138, %mul3A_149 : i32
            %add3A_151 = arith.constant 0 : i32
            %add3A_152 = arith.addi %mul3A_150, %add3A_151 : i32
            %get3A_153 = arith.index_cast %rem3A_115 : i32 to index
            %get3A_154 = arith.index_cast %add3A_152 : i32 to index
            %get3A_155 = tpu.vector_load %arg6[%get3A_153, %get3A_154] {strides = array<i32>} : memref<2x2048xf32, #tpu.memory_space<vmem>>, vector<16xf32>,
            %sub3A = vector.broadcast %mul3A_25 : i32 to vector<16xi32>
            %sub3A_156 = arith.subi %get3A_148, %sub3A : vector<16xi32>
            %bitcast3A = vector.bitcast %sub3A_156 : vector<16xi32> to vector<16xi32>
            %lt3A_157 = vector.broadcast %scan3A_12 : i32 to vector<16xi32>
            %lt3A_158 = arith.cmpi ult, %bitcast3A, %lt3A_157 : vector<16xi32>
            %swap3A = arith.index_cast %rem3A_142 : i32 to index
            %swap3A_159 = arith.index_cast %scan3A_139 : i32 to index
            %swap3A_160 = tpu.vector_load %arg7[%swap3A, %swap3A_159] masked %lt3A_158 {strides = array<i32>} : memref<2x128xi32, #tpu.memory_space<vmem>>, vector<16xi32>, vector<16xi1>
            tpu.vector_store %arg7[%swap3A, %swap3A_159], %sub3A_156 masked %lt3A_158 {strides = array<i32>} : memref<2x128xi32, #tpu.memory_space<vmem>>, vector<16xi32>, vector<16xi1>
            %swap3A_161 = arith.index_cast %rem3A_142 : i32 to index
            %swap3A_162 = arith.index_cast %scan3A_139 : i32 to index
            %swap3A_163 = tpu.vector_load %arg8[%swap3A_161, %swap3A_162] masked %lt3A_158 {strides = array<i32>} : memref<2x128xf32, #tpu.memory_space<vmem>>, vector<16xf32>, vector<16xi1>
            tpu.vector_store %arg8[%swap3A_161, %swap3A_162], %get3A_155 masked %lt3A_158 {strides = array<i32>} : memref<2x128xf32, #tpu.memory_space<vmem>>, vector<16xf32>, vector<16xi1>
            %all_reduce_population_count3A = tpu.all_reduce %lt3A_158 {dim = 0 : i64, kind = #tpu.reduction_kind<sum>} : vector<16xi1> -> vector<16xi32>
            %slice3A = vector.extract_strided_slice %all_reduce_population_count3A {offsets = [0], sizes = [1], strides = [1]} : vector<16xi32> to vector<1xi32>
            %squeeze3A = vector.extract %slice3A[0] : i32 from vector<1xi32>
            %add3A_164 = arith.addi %scan3A_139, %squeeze3A : i32
            %mul3A_165 = arith.constant 64 : i32
            %mul3A_166 = arith.muli %scan3A_138, %mul3A_165 : i32
            %add3A_167 = arith.constant 16 : i32
            %add3A_168 = arith.addi %mul3A_166, %add3A_167 : i32
            %get3A_169 = arith.index_cast %rem3A_115 : i32 to index
            %get3A_170 = arith.index_cast %add3A_168 : i32 to index
            %get3A_171 = tpu.vector_load %arg5[%get3A_169, %get3A_170] {strides = array<i32>} : memref<2x2048xi32, #tpu.memory_space<vmem>>, vector<16xi32>,
            %mul3A_172 = arith.constant 64 : i32
            %mul3A_173 = arith.muli %scan3A_138, %mul3A_172 : i32
            %add3A_174 = arith.constant 16 : i32
            %add3A_175 = arith.addi %mul3A_173, %add3A_174 : i32
            %get3A_176 = arith.index_cast %rem3A_115 : i32 to index
            %get3A_177 = arith.index_cast %add3A_175 : i32 to index
            %get3A_178 = tpu.vector_load %arg6[%get3A_176, %get3A_177] {strides = array<i32>} : memref<2x2048xf32, #tpu.memory_space<vmem>>, vector<16xf32>,
            %sub3A_179 = vector.broadcast %mul3A_25 : i32 to vector<16xi32>
            %sub3A_180 = arith.subi %get3A_171, %sub3A_179 : vector<16xi32>
            %bitcast3A_181 = vector.bitcast %sub3A_180 : vector<16xi32> to vector<16xi32>
            %lt3A_182 = vector.broadcast %scan3A_12 : i32 to vector<16xi32>
            %lt3A_183 = arith.cmpi ult, %bitcast3A_181, %lt3A_182 : vector<16xi32>
            %swap3A_184 = arith.index_cast %rem3A_142 : i32 to index
            %swap3A_185 = arith.index_cast %add3A_164 : i32 to index
            %swap3A_186 = tpu.vector_load %arg7[%swap3A_184, %swap3A_185] masked %lt3A_183 {strides = array<i32>} : memref<2x128xi32, #tpu.memory_space<vmem>>, vector<16xi32>, vector<16xi1>
            tpu.vector_store %arg7[%swap3A_184, %swap3A_185], %sub3A_180 masked %lt3A_183 {strides = array<i32>} : memref<2x128xi32, #tpu.memory_space<vmem>>, vector<16xi32>, vector<16xi1>
            %swap3A_187 = arith.index_cast %rem3A_142 : i32 to index
            %swap3A_188 = arith.index_cast %add3A_164 : i32 to index
            %swap3A_189 = tpu.vector_load %arg8[%swap3A_187, %swap3A_188] masked %lt3A_183 {strides = array<i32>} : memref<2x128xf32, #tpu.memory_space<vmem>>, vector<16xf32>, vector<16xi1>
            tpu.vector_store %arg8[%swap3A_187, %swap3A_188], %get3A_178 masked %lt3A_183 {strides = array<i32>} : memref<2x128xf32, #tpu.memory_space<vmem>>, vector<16xf32>, vector<16xi1>
            %all_reduce_population_count3A_190 = tpu.all_reduce %lt3A_183 {dim = 0 : i64, kind = #tpu.reduction_kind<sum>} : vector<16xi1> -> vector<16xi32>
            %slice3A_191 = vector.extract_strided_slice %all_reduce_population_count3A_190 {offsets = [0], sizes = [1], strides = [1]} : vector<16xi32> to vector<1xi32>
            %squeeze3A_192 = vector.extract %slice3A_191[0] : i32 from vector<1xi32>
            %add3A_193 = arith.addi %add3A_164, %squeeze3A_192 : i32
            %mul3A_194 = arith.constant 64 : i32
            %mul3A_195 = arith.muli %scan3A_138, %mul3A_194 : i32
            %add3A_196 = arith.constant 32 : i32
            %add3A_197 = arith.addi %mul3A_195, %add3A_196 : i32
            %get3A_198 = arith.index_cast %rem3A_115 : i32 to index
            %get3A_199 = arith.index_cast %add3A_197 : i32 to index
            %get3A_200 = tpu.vector_load %arg5[%get3A_198, %get3A_199] {strides = array<i32>} : memref<2x2048xi32, #tpu.memory_space<vmem>>, vector<16xi32>,
            %mul3A_201 = arith.constant 64 : i32
            %mul3A_202 = arith.muli %scan3A_138, %mul3A_201 : i32
            %add3A_203 = arith.constant 32 : i32
            %add3A_204 = arith.addi %mul3A_202, %add3A_203 : i32
            %get3A_205 = arith.index_cast %rem3A_115 : i32 to index
            %get3A_206 = arith.index_cast %add3A_204 : i32 to index
            %get3A_207 = tpu.vector_load %arg6[%get3A_205, %get3A_206] {strides = array<i32>} : memref<2x2048xf32, #tpu.memory_space<vmem>>, vector<16xf32>,
            %sub3A_208 = vector.broadcast %mul3A_25 : i32 to vector<16xi32>
            %sub3A_209 = arith.subi %get3A_200, %sub3A_208 : vector<16xi32>
            %bitcast3A_210 = vector.bitcast %sub3A_209 : vector<16xi32> to vector<16xi32>
            %lt3A_211 = vector.broadcast %scan3A_12 : i32 to vector<16xi32>
            %lt3A_212 = arith.cmpi ult, %bitcast3A_210, %lt3A_211 : vector<16xi32>
            %swap3A_213 = arith.index_cast %rem3A_142 : i32 to index
            %swap3A_214 = arith.index_cast %add3A_193 : i32 to index
            %swap3A_215 = tpu.vector_load %arg7[%swap3A_213, %swap3A_214] masked %lt3A_212 {strides = array<i32>} : memref<2x128xi32, #tpu.memory_space<vmem>>, vector<16xi32>, vector<16xi1>
            tpu.vector_store %arg7[%swap3A_213, %swap3A_214], %sub3A_209 masked %lt3A_212 {strides = array<i32>} : memref<2x128xi32, #tpu.memory_space<vmem>>, vector<16xi32>, vector<16xi1>
            %swap3A_216 = arith.index_cast %rem3A_142 : i32 to index
            %swap3A_217 = arith.index_cast %add3A_193 : i32 to index
            %swap3A_218 = tpu.vector_load %arg8[%swap3A_216, %swap3A_217] masked %lt3A_212 {strides = array<i32>} : memref<2x128xf32, #tpu.memory_space<vmem>>, vector<16xf32>, vector<16xi1>
            tpu.vector_store %arg8[%swap3A_216, %swap3A_217], %get3A_207 masked %lt3A_212 {strides = array<i32>} : memref<2x128xf32, #tpu.memory_space<vmem>>, vector<16xf32>, vector<16xi1>
            %all_reduce_population_count3A_219 = tpu.all_reduce %lt3A_212 {dim = 0 : i64, kind = #tpu.reduction_kind<sum>} : vector<16xi1> -> vector<16xi32>
            %slice3A_220 = vector.extract_strided_slice %all_reduce_population_count3A_219 {offsets = [0], sizes = [1], strides = [1]} : vector<16xi32> to vector<1xi32>
            %squeeze3A_221 = vector.extract %slice3A_220[0] : i32 from vector<1xi32>
            %add3A_222 = arith.addi %add3A_193, %squeeze3A_221 : i32
            %mul3A_223 = arith.constant 64 : i32
            %mul3A_224 = arith.muli %scan3A_138, %mul3A_223 : i32
            %add3A_225 = arith.constant 48 : i32
            %add3A_226 = arith.addi %mul3A_224, %add3A_225 : i32
            %get3A_227 = arith.index_cast %rem3A_115 : i32 to index
            %get3A_228 = arith.index_cast %add3A_226 : i32 to index
            %get3A_229 = tpu.vector_load %arg5[%get3A_227, %get3A_228] {strides = array<i32>} : memref<2x2048xi32, #tpu.memory_space<vmem>>, vector<16xi32>,
            %mul3A_230 = arith.constant 64 : i32
            %mul3A_231 = arith.muli %scan3A_138, %mul3A_230 : i32
            %add3A_232 = arith.constant 48 : i32
            %add3A_233 = arith.addi %mul3A_231, %add3A_232 : i32
            %get3A_234 = arith.index_cast %rem3A_115 : i32 to index
            %get3A_235 = arith.index_cast %add3A_233 : i32 to index
            %get3A_236 = tpu.vector_load %arg6[%get3A_234, %get3A_235] {strides = array<i32>} : memref<2x2048xf32, #tpu.memory_space<vmem>>, vector<16xf32>,
            %sub3A_237 = vector.broadcast %mul3A_25 : i32 to vector<16xi32>
            %sub3A_238 = arith.subi %get3A_229, %sub3A_237 : vector<16xi32>
            %bitcast3A_239 = vector.bitcast %sub3A_238 : vector<16xi32> to vector<16xi32>
            %lt3A_240 = vector.broadcast %scan3A_12 : i32 to vector<16xi32>
            %lt3A_241 = arith.cmpi ult, %bitcast3A_239, %lt3A_240 : vector<16xi32>
            %swap3A_242 = arith.index_cast %rem3A_142 : i32 to index
            %swap3A_243 = arith.index_cast %add3A_222 : i32 to index
            %swap3A_244 = tpu.vector_load %arg7[%swap3A_242, %swap3A_243] masked %lt3A_241 {strides = array<i32>} : memref<2x128xi32, #tpu.memory_space<vmem>>, vector<16xi32>, vector<16xi1>
            tpu.vector_store %arg7[%swap3A_242, %swap3A_243], %sub3A_238 masked %lt3A_241 {strides = array<i32>} : memref<2x128xi32, #tpu.memory_space<vmem>>, vector<16xi32>, vector<16xi1>
            %swap3A_245 = arith.index_cast %rem3A_142 : i32 to index
            %swap3A_246 = arith.index_cast %add3A_222 : i32 to index
            %swap3A_247 = tpu.vector_load %arg8[%swap3A_245, %swap3A_246] masked %lt3A_241 {strides = array<i32>} : memref<2x128xf32, #tpu.memory_space<vmem>>, vector<16xf32>, vector<16xi1>
            tpu.vector_store %arg8[%swap3A_245, %swap3A_246], %get3A_236 masked %lt3A_241 {strides = array<i32>} : memref<2x128xf32, #tpu.memory_space<vmem>>, vector<16xf32>, vector<16xi1>
            %all_reduce_population_count3A_248 = tpu.all_reduce %lt3A_241 {dim = 0 : i64, kind = #tpu.reduction_kind<sum>} : vector<16xi1> -> vector<16xi32>
            %slice3A_249 = vector.extract_strided_slice %all_reduce_population_count3A_248 {offsets = [0], sizes = [1], strides = [1]} : vector<16xi32> to vector<1xi32>
            %squeeze3A_250 = vector.extract %slice3A_249[0] : i32 from vector<1xi32>
            %add3A_251 = arith.addi %add3A_222, %squeeze3A_250 : i32
            %ge3A_252 = arith.constant 64 : i32
            %ge3A_253 = arith.cmpi sge, %add3A_251, %ge3A_252 : i32
            %eq3A_254 = arith.constant 0 : i32
            %eq3A_255 = arith.cmpi eq, %rem3A_142, %eq3A_254 : i32
            %and3A_256 = arith.andi %ge3A_253, %eq3A_255 : i1
            %convert_element_type3A_257 = arith.extui %and3A_256 : i1 to i32
            %cond3A_258 = arith.constant 0 : i32
            %cond3A_259 = arith.cmpi ne, %convert_element_type3A_257, %cond3A_258 : i32
            scf.if %cond3A_259 {
              %add3A_269 = arith.constant 0 : i32
              %add3A_270 = arith.addi %add3A_251, %add3A_269 : i32
              %add3A_271 = vector.broadcast %add3A_270 : i32 to vector<16xi32>
              %add3A_272 = arith.addi %add3A_271, %iota3A : vector<16xi32>
              %lt3A_273 = arith.constant 128 : i32
              %lt3A_274 = vector.broadcast %lt3A_273 : i32 to vector<16xi32>
              %lt3A_275 = arith.cmpi slt, %add3A_272, %lt3A_274 : vector<16xi32>
              %scatter3A = arith.constant 0 : i32
              %scatter3A_276 = arith.constant 0 : i32
              %scatter3A_277 = tpu.memref_slice %arg7[%scatter3A, %scatter3A_276] : memref<2x128xi32, #tpu.memory_space<vmem>> -> memref<1x128xi32, #tpu.memory_space<vmem>>
              %scatter3A_278 = tpu.memref_squeeze %scatter3A_277 : memref<1x128xi32, #tpu.memory_space<vmem>> -> memref<128xi32, #tpu.memory_space<vmem>>
              tpu.vector_store_idx %scatter3A_278[%add3A_272], %add3A_5 masked %lt3A_275 : memref<128xi32, #tpu.memory_space<vmem>>[vector<16xi32>], vector<16xi32>, vector<16xi1>
              %add3A_279 = arith.constant 16 : i32
              %add3A_280 = arith.addi %add3A_251, %add3A_279 : i32
              %add3A_281 = vector.broadcast %add3A_280 : i32 to vector<16xi32>
              %add3A_282 = arith.addi %add3A_281, %iota3A : vector<16xi32>
              %lt3A_283 = arith.constant 128 : i32
              %lt3A_284 = vector.broadcast %lt3A_283 : i32 to vector<16xi32>
              %lt3A_285 = arith.cmpi slt, %add3A_282, %lt3A_284 : vector<16xi32>
              %scatter3A_286 = arith.constant 0 : i32
              %scatter3A_287 = arith.constant 0 : i32
              %scatter3A_288 = tpu.memref_slice %arg7[%scatter3A_286, %scatter3A_287] : memref<2x128xi32, #tpu.memory_space<vmem>> -> memref<1x128xi32, #tpu.memory_space<vmem>>
              %scatter3A_289 = tpu.memref_squeeze %scatter3A_288 : memref<1x128xi32, #tpu.memory_space<vmem>> -> memref<128xi32, #tpu.memory_space<vmem>>
              tpu.vector_store_idx %scatter3A_289[%add3A_282], %add3A_5 masked %lt3A_285 : memref<128xi32, #tpu.memory_space<vmem>>[vector<16xi32>], vector<16xi32>, vector<16xi1>
              %add3A_290 = arith.constant 32 : i32
              %add3A_291 = arith.addi %add3A_251, %add3A_290 : i32
              %add3A_292 = vector.broadcast %add3A_291 : i32 to vector<16xi32>
              %add3A_293 = arith.addi %add3A_292, %iota3A : vector<16xi32>
              %lt3A_294 = arith.constant 128 : i32
              %lt3A_295 = vector.broadcast %lt3A_294 : i32 to vector<16xi32>
              %lt3A_296 = arith.cmpi slt, %add3A_293, %lt3A_295 : vector<16xi32>
              %scatter3A_297 = arith.constant 0 : i32
              %scatter3A_298 = arith.constant 0 : i32
              %scatter3A_299 = tpu.memref_slice %arg7[%scatter3A_297, %scatter3A_298] : memref<2x128xi32, #tpu.memory_space<vmem>> -> memref<1x128xi32, #tpu.memory_space<vmem>>
              %scatter3A_300 = tpu.memref_squeeze %scatter3A_299 : memref<1x128xi32, #tpu.memory_space<vmem>> -> memref<128xi32, #tpu.memory_space<vmem>>
              tpu.vector_store_idx %scatter3A_300[%add3A_293], %add3A_5 masked %lt3A_296 : memref<128xi32, #tpu.memory_space<vmem>>[vector<16xi32>], vector<16xi32>, vector<16xi1>
              %add3A_301 = arith.constant 48 : i32
              %add3A_302 = arith.addi %add3A_251, %add3A_301 : i32
              %add3A_303 = vector.broadcast %add3A_302 : i32 to vector<16xi32>
              %add3A_304 = arith.addi %add3A_303, %iota3A : vector<16xi32>
              %lt3A_305 = arith.constant 128 : i32
              %lt3A_306 = vector.broadcast %lt3A_305 : i32 to vector<16xi32>
              %lt3A_307 = arith.cmpi slt, %add3A_304, %lt3A_306 : vector<16xi32>
              %scatter3A_308 = arith.constant 0 : i32
              %scatter3A_309 = arith.constant 0 : i32
              %scatter3A_310 = tpu.memref_slice %arg7[%scatter3A_308, %scatter3A_309] : memref<2x128xi32, #tpu.memory_space<vmem>> -> memref<1x128xi32, #tpu.memory_space<vmem>>
              %scatter3A_311 = tpu.memref_squeeze %scatter3A_310 : memref<1x128xi32, #tpu.memory_space<vmem>> -> memref<128xi32, #tpu.memory_space<vmem>>
              tpu.vector_store_idx %scatter3A_311[%add3A_304], %add3A_5 masked %lt3A_307 : memref<128xi32, #tpu.memory_space<vmem>>[vector<16xi32>], vector<16xi32>, vector<16xi1>
              %dma_start3A_312 = arith.constant 0 : i32
              %dma_start3A_313 = arith.constant 0 : i32
              %dma_start3A_314 = arith.constant 0 : i32
              %dma_start3A_315 = tpu.memref_slice %arg8[%dma_start3A_312, %dma_start3A_314] : memref<2x128xf32, #tpu.memory_space<vmem>> -> memref<1x128xf32, #tpu.memory_space<vmem>>
              %dma_start3A_316 = tpu.memref_squeeze %dma_start3A_315 : memref<1x128xf32, #tpu.memory_space<vmem>> -> memref<128xf32, #tpu.memory_space<vmem>>
              %dma_start3A_317 = arith.constant 0 : i32
              %dma_start3A_318 = tpu.memref_slice %arg7[%dma_start3A_313, %dma_start3A_317] : memref<2x128xi32, #tpu.memory_space<vmem>> -> memref<1x128xi32, #tpu.memory_space<vmem>>
              %dma_start3A_319 = tpu.memref_squeeze %dma_start3A_318 : memref<1x128xi32, #tpu.memory_space<vmem>> -> memref<128xi32, #tpu.memory_space<vmem>>
              %dma_start3A_320 = arith.constant 0 : i32
              %dma_start3A_321 = tpu.memref_slice %arg10[%dma_start3A_320] : memref<1835264xf32, #tpu.memory_space<vmem_shared>> -> memref<1835264xf32, #tpu.memory_space<vmem_shared>>
              tpu.enqueue_indirect_dma source(%dma_start3A_316 : memref<128xf32, #tpu.memory_space<vmem>>) target(%dma_start3A_321 : memref<1835264xf32, #tpu.memory_space<vmem_shared>>) offsets(%dma_start3A_319 : memref<128xi32, #tpu.memory_space<vmem>>) semaphore(%arg13 : memref<!tpu.dma_semaphore, #tpu.memory_space<semaphore_mem>>) {add = true}
              %ge3A_322 = arith.constant 1 : i32
              %ge3A_323 = arith.cmpi sge, %scan3A_140, %ge3A_322 : i32
              %convert_element_type3A_324 = arith.extui %ge3A_323 : i1 to i32
              %cond3A_325 = arith.constant 0 : i32
              %cond3A_326 = arith.cmpi ne, %convert_element_type3A_324, %cond3A_325 : i32
              scf.if %cond3A_326 {
                %dma_wait3A = arith.constant 1 : i32
                %dma_wait3A_327 = arith.constant 1 : i32
                %dma_wait3A_328 = arith.constant 0 : i32
                %dma_wait3A_329 = tpu.memref_slice %arg8[%dma_wait3A, %dma_wait3A_328] : memref<2x128xf32, #tpu.memory_space<vmem>> -> memref<1x128xf32, #tpu.memory_space<vmem>>
                %dma_wait3A_330 = tpu.memref_squeeze %dma_wait3A_329 : memref<1x128xf32, #tpu.memory_space<vmem>> -> memref<128xf32, #tpu.memory_space<vmem>>
                %dma_wait3A_331 = arith.constant 0 : i32
                %dma_wait3A_332 = tpu.memref_slice %arg7[%dma_wait3A_327, %dma_wait3A_331] : memref<2x128xi32, #tpu.memory_space<vmem>> -> memref<1x128xi32, #tpu.memory_space<vmem>>
                %dma_wait3A_333 = tpu.memref_squeeze %dma_wait3A_332 : memref<1x128xi32, #tpu.memory_space<vmem>> -> memref<128xi32, #tpu.memory_space<vmem>>
                %dma_wait3A_334 = arith.constant 0 : i32
                %dma_wait3A_335 = tpu.memref_slice %arg10[%dma_wait3A_334] : memref<1835264xf32, #tpu.memory_space<vmem_shared>> -> memref<1835264xf32, #tpu.memory_space<vmem_shared>>
                tpu.wait_indirect_dma semaphore(%arg14 : memref<!tpu.dma_semaphore, #tpu.memory_space<semaphore_mem>>) src(%dma_wait3A_330 : memref<128xf32, #tpu.memory_space<vmem>>) dst(%dma_wait3A_335 : memref<1835264xf32, #tpu.memory_space<vmem_shared>>)
              } else {
              }
            } else {
            }
            %eq3A_260 = arith.constant 1 : i32
            %eq3A_261 = arith.cmpi eq, %rem3A_142, %eq3A_260 : i32
            %and3A_262 = arith.andi %ge3A_253, %eq3A_261 : i1
            %convert_element_type3A_263 = arith.extui %and3A_262 : i1 to i32
            %cond3A_264 = arith.constant 0 : i32
            %cond3A_265 = arith.cmpi ne, %convert_element_type3A_263, %cond3A_264 : i32
            scf.if %cond3A_265 {
              %add3A_269 = arith.constant 0 : i32
              %add3A_270 = arith.addi %add3A_251, %add3A_269 : i32
              %add3A_271 = vector.broadcast %add3A_270 : i32 to vector<16xi32>
              %add3A_272 = arith.addi %add3A_271, %iota3A : vector<16xi32>
              %lt3A_273 = arith.constant 128 : i32
              %lt3A_274 = vector.broadcast %lt3A_273 : i32 to vector<16xi32>
              %lt3A_275 = arith.cmpi slt, %add3A_272, %lt3A_274 : vector<16xi32>
              %scatter3A = arith.constant 1 : i32
              %scatter3A_276 = arith.constant 0 : i32
              %scatter3A_277 = tpu.memref_slice %arg7[%scatter3A, %scatter3A_276] : memref<2x128xi32, #tpu.memory_space<vmem>> -> memref<1x128xi32, #tpu.memory_space<vmem>>
              %scatter3A_278 = tpu.memref_squeeze %scatter3A_277 : memref<1x128xi32, #tpu.memory_space<vmem>> -> memref<128xi32, #tpu.memory_space<vmem>>
              tpu.vector_store_idx %scatter3A_278[%add3A_272], %add3A_5 masked %lt3A_275 : memref<128xi32, #tpu.memory_space<vmem>>[vector<16xi32>], vector<16xi32>, vector<16xi1>
              %add3A_279 = arith.constant 16 : i32
              %add3A_280 = arith.addi %add3A_251, %add3A_279 : i32
              %add3A_281 = vector.broadcast %add3A_280 : i32 to vector<16xi32>
              %add3A_282 = arith.addi %add3A_281, %iota3A : vector<16xi32>
              %lt3A_283 = arith.constant 128 : i32
              %lt3A_284 = vector.broadcast %lt3A_283 : i32 to vector<16xi32>
              %lt3A_285 = arith.cmpi slt, %add3A_282, %lt3A_284 : vector<16xi32>
              %scatter3A_286 = arith.constant 1 : i32
              %scatter3A_287 = arith.constant 0 : i32
              %scatter3A_288 = tpu.memref_slice %arg7[%scatter3A_286, %scatter3A_287] : memref<2x128xi32, #tpu.memory_space<vmem>> -> memref<1x128xi32, #tpu.memory_space<vmem>>
              %scatter3A_289 = tpu.memref_squeeze %scatter3A_288 : memref<1x128xi32, #tpu.memory_space<vmem>> -> memref<128xi32, #tpu.memory_space<vmem>>
              tpu.vector_store_idx %scatter3A_289[%add3A_282], %add3A_5 masked %lt3A_285 : memref<128xi32, #tpu.memory_space<vmem>>[vector<16xi32>], vector<16xi32>, vector<16xi1>
              %add3A_290 = arith.constant 32 : i32
              %add3A_291 = arith.addi %add3A_251, %add3A_290 : i32
              %add3A_292 = vector.broadcast %add3A_291 : i32 to vector<16xi32>
              %add3A_293 = arith.addi %add3A_292, %iota3A : vector<16xi32>
              %lt3A_294 = arith.constant 128 : i32
              %lt3A_295 = vector.broadcast %lt3A_294 : i32 to vector<16xi32>
              %lt3A_296 = arith.cmpi slt, %add3A_293, %lt3A_295 : vector<16xi32>
              %scatter3A_297 = arith.constant 1 : i32
              %scatter3A_298 = arith.constant 0 : i32
              %scatter3A_299 = tpu.memref_slice %arg7[%scatter3A_297, %scatter3A_298] : memref<2x128xi32, #tpu.memory_space<vmem>> -> memref<1x128xi32, #tpu.memory_space<vmem>>
              %scatter3A_300 = tpu.memref_squeeze %scatter3A_299 : memref<1x128xi32, #tpu.memory_space<vmem>> -> memref<128xi32, #tpu.memory_space<vmem>>
              tpu.vector_store_idx %scatter3A_300[%add3A_293], %add3A_5 masked %lt3A_296 : memref<128xi32, #tpu.memory_space<vmem>>[vector<16xi32>], vector<16xi32>, vector<16xi1>
              %add3A_301 = arith.constant 48 : i32
              %add3A_302 = arith.addi %add3A_251, %add3A_301 : i32
              %add3A_303 = vector.broadcast %add3A_302 : i32 to vector<16xi32>
              %add3A_304 = arith.addi %add3A_303, %iota3A : vector<16xi32>
              %lt3A_305 = arith.constant 128 : i32
              %lt3A_306 = vector.broadcast %lt3A_305 : i32 to vector<16xi32>
              %lt3A_307 = arith.cmpi slt, %add3A_304, %lt3A_306 : vector<16xi32>
              %scatter3A_308 = arith.constant 1 : i32
              %scatter3A_309 = arith.constant 0 : i32
              %scatter3A_310 = tpu.memref_slice %arg7[%scatter3A_308, %scatter3A_309] : memref<2x128xi32, #tpu.memory_space<vmem>> -> memref<1x128xi32, #tpu.memory_space<vmem>>
              %scatter3A_311 = tpu.memref_squeeze %scatter3A_310 : memref<1x128xi32, #tpu.memory_space<vmem>> -> memref<128xi32, #tpu.memory_space<vmem>>
              tpu.vector_store_idx %scatter3A_311[%add3A_304], %add3A_5 masked %lt3A_307 : memref<128xi32, #tpu.memory_space<vmem>>[vector<16xi32>], vector<16xi32>, vector<16xi1>
              %dma_start3A_312 = arith.constant 1 : i32
              %dma_start3A_313 = arith.constant 1 : i32
              %dma_start3A_314 = arith.constant 0 : i32
              %dma_start3A_315 = tpu.memref_slice %arg8[%dma_start3A_312, %dma_start3A_314] : memref<2x128xf32, #tpu.memory_space<vmem>> -> memref<1x128xf32, #tpu.memory_space<vmem>>
              %dma_start3A_316 = tpu.memref_squeeze %dma_start3A_315 : memref<1x128xf32, #tpu.memory_space<vmem>> -> memref<128xf32, #tpu.memory_space<vmem>>
              %dma_start3A_317 = arith.constant 0 : i32
              %dma_start3A_318 = tpu.memref_slice %arg7[%dma_start3A_313, %dma_start3A_317] : memref<2x128xi32, #tpu.memory_space<vmem>> -> memref<1x128xi32, #tpu.memory_space<vmem>>
              %dma_start3A_319 = tpu.memref_squeeze %dma_start3A_318 : memref<1x128xi32, #tpu.memory_space<vmem>> -> memref<128xi32, #tpu.memory_space<vmem>>
              %dma_start3A_320 = arith.constant 0 : i32
              %dma_start3A_321 = tpu.memref_slice %arg10[%dma_start3A_320] : memref<1835264xf32, #tpu.memory_space<vmem_shared>> -> memref<1835264xf32, #tpu.memory_space<vmem_shared>>
              tpu.enqueue_indirect_dma source(%dma_start3A_316 : memref<128xf32, #tpu.memory_space<vmem>>) target(%dma_start3A_321 : memref<1835264xf32, #tpu.memory_space<vmem_shared>>) offsets(%dma_start3A_319 : memref<128xi32, #tpu.memory_space<vmem>>) semaphore(%arg14 : memref<!tpu.dma_semaphore, #tpu.memory_space<semaphore_mem>>) {add = true}
              %ge3A_322 = arith.constant 1 : i32
              %ge3A_323 = arith.cmpi sge, %scan3A_140, %ge3A_322 : i32
              %convert_element_type3A_324 = arith.extui %ge3A_323 : i1 to i32
              %cond3A_325 = arith.constant 0 : i32
              %cond3A_326 = arith.cmpi ne, %convert_element_type3A_324, %cond3A_325 : i32
              scf.if %cond3A_326 {
                %dma_wait3A = arith.constant 0 : i32
                %dma_wait3A_327 = arith.constant 0 : i32
                %dma_wait3A_328 = arith.constant 0 : i32
                %dma_wait3A_329 = tpu.memref_slice %arg8[%dma_wait3A, %dma_wait3A_328] : memref<2x128xf32, #tpu.memory_space<vmem>> -> memref<1x128xf32, #tpu.memory_space<vmem>>
                %dma_wait3A_330 = tpu.memref_squeeze %dma_wait3A_329 : memref<1x128xf32, #tpu.memory_space<vmem>> -> memref<128xf32, #tpu.memory_space<vmem>>
                %dma_wait3A_331 = arith.constant 0 : i32
                %dma_wait3A_332 = tpu.memref_slice %arg7[%dma_wait3A_327, %dma_wait3A_331] : memref<2x128xi32, #tpu.memory_space<vmem>> -> memref<1x128xi32, #tpu.memory_space<vmem>>
                %dma_wait3A_333 = tpu.memref_squeeze %dma_wait3A_332 : memref<1x128xi32, #tpu.memory_space<vmem>> -> memref<128xi32, #tpu.memory_space<vmem>>
                %dma_wait3A_334 = arith.constant 0 : i32
                %dma_wait3A_335 = tpu.memref_slice %arg10[%dma_wait3A_334] : memref<1835264xf32, #tpu.memory_space<vmem_shared>> -> memref<1835264xf32, #tpu.memory_space<vmem_shared>>
                tpu.wait_indirect_dma semaphore(%arg13 : memref<!tpu.dma_semaphore, #tpu.memory_space<semaphore_mem>>) src(%dma_wait3A_330 : memref<128xf32, #tpu.memory_space<vmem>>) dst(%dma_wait3A_335 : memref<1835264xf32, #tpu.memory_space<vmem_shared>>)
              } else {
              }
            } else {
            }
            %jit3A = arith.constant 0 : i32
            %select_n3A = arith.select %ge3A_253, %jit3A, %add3A_251 : i32
            %add3A_266 = arith.constant 1 : i32
            %add3A_267 = arith.addi %scan3A_140, %add3A_266 : i32
            %select_n3A_268 = arith.select %ge3A_253, %add3A_267, %scan3A_140 : i32
            scf.yield %select_n3A, %select_n3A_268 : i32, i32
          }
          %scan3A_137 = arith.constant 32 : i32
          scf.yield %scan3A_136#0, %scan3A_136#1 : i32, i32
        }
        %scan3A_64 = arith.constant 294 : i32
        %rem3A = arith.constant 2 : i32
        %rem3A_65 = arith.remsi %scan3A_63#1, %rem3A : i32
        %gt3A = arith.constant 0 : i32
        %gt3A_66 = arith.cmpi sgt, %scan3A_63#0, %gt3A : i32
        %eq3A = arith.constant 0 : i32
        %eq3A_67 = arith.cmpi eq, %rem3A_65, %eq3A : i32
        %and3A = arith.andi %gt3A_66, %eq3A_67 : i1
        %convert_element_type3A_68 = arith.extui %and3A : i1 to i32
        %cond3A_69 = arith.constant 0 : i32
        %cond3A_70 = arith.cmpi ne, %convert_element_type3A_68, %cond3A_69 : i32
        scf.if %cond3A_70 {
          %add3A_111 = arith.constant 0 : i32
          %add3A_112 = arith.addi %scan3A_63#0, %add3A_111 : i32
          %add3A_113 = vector.broadcast %add3A_112 : i32 to vector<16xi32>
          %add3A_114 = arith.addi %add3A_113, %iota3A : vector<16xi32>
          %lt3A_115 = arith.constant 128 : i32
          %lt3A_116 = vector.broadcast %lt3A_115 : i32 to vector<16xi32>
          %lt3A_117 = arith.cmpi slt, %add3A_114, %lt3A_116 : vector<16xi32>
          %scatter3A = arith.constant 0 : i32
          %scatter3A_118 = arith.constant 0 : i32
          %scatter3A_119 = tpu.memref_slice %arg7[%scatter3A, %scatter3A_118] : memref<2x128xi32, #tpu.memory_space<vmem>> -> memref<1x128xi32, #tpu.memory_space<vmem>>
          %scatter3A_120 = tpu.memref_squeeze %scatter3A_119 : memref<1x128xi32, #tpu.memory_space<vmem>> -> memref<128xi32, #tpu.memory_space<vmem>>
          tpu.vector_store_idx %scatter3A_120[%add3A_114], %add3A_5 masked %lt3A_117 : memref<128xi32, #tpu.memory_space<vmem>>[vector<16xi32>], vector<16xi32>, vector<16xi1>
          %add3A_121 = arith.constant 16 : i32
          %add3A_122 = arith.addi %scan3A_63#0, %add3A_121 : i32
          %add3A_123 = vector.broadcast %add3A_122 : i32 to vector<16xi32>
          %add3A_124 = arith.addi %add3A_123, %iota3A : vector<16xi32>
          %lt3A_125 = arith.constant 128 : i32
          %lt3A_126 = vector.broadcast %lt3A_125 : i32 to vector<16xi32>
          %lt3A_127 = arith.cmpi slt, %add3A_124, %lt3A_126 : vector<16xi32>
          %scatter3A_128 = arith.constant 0 : i32
          %scatter3A_129 = arith.constant 0 : i32
          %scatter3A_130 = tpu.memref_slice %arg7[%scatter3A_128, %scatter3A_129] : memref<2x128xi32, #tpu.memory_space<vmem>> -> memref<1x128xi32, #tpu.memory_space<vmem>>
          %scatter3A_131 = tpu.memref_squeeze %scatter3A_130 : memref<1x128xi32, #tpu.memory_space<vmem>> -> memref<128xi32, #tpu.memory_space<vmem>>
          tpu.vector_store_idx %scatter3A_131[%add3A_124], %add3A_5 masked %lt3A_127 : memref<128xi32, #tpu.memory_space<vmem>>[vector<16xi32>], vector<16xi32>, vector<16xi1>
          %add3A_132 = arith.constant 32 : i32
          %add3A_133 = arith.addi %scan3A_63#0, %add3A_132 : i32
          %add3A_134 = vector.broadcast %add3A_133 : i32 to vector<16xi32>
          %add3A_135 = arith.addi %add3A_134, %iota3A : vector<16xi32>
          %lt3A_136 = arith.constant 128 : i32
          %lt3A_137 = vector.broadcast %lt3A_136 : i32 to vector<16xi32>
          %lt3A_138 = arith.cmpi slt, %add3A_135, %lt3A_137 : vector<16xi32>
          %scatter3A_139 = arith.constant 0 : i32
          %scatter3A_140 = arith.constant 0 : i32
          %scatter3A_141 = tpu.memref_slice %arg7[%scatter3A_139, %scatter3A_140] : memref<2x128xi32, #tpu.memory_space<vmem>> -> memref<1x128xi32, #tpu.memory_space<vmem>>
          %scatter3A_142 = tpu.memref_squeeze %scatter3A_141 : memref<1x128xi32, #tpu.memory_space<vmem>> -> memref<128xi32, #tpu.memory_space<vmem>>
          tpu.vector_store_idx %scatter3A_142[%add3A_135], %add3A_5 masked %lt3A_138 : memref<128xi32, #tpu.memory_space<vmem>>[vector<16xi32>], vector<16xi32>, vector<16xi1>
          %add3A_143 = arith.constant 48 : i32
          %add3A_144 = arith.addi %scan3A_63#0, %add3A_143 : i32
          %add3A_145 = vector.broadcast %add3A_144 : i32 to vector<16xi32>
          %add3A_146 = arith.addi %add3A_145, %iota3A : vector<16xi32>
          %lt3A_147 = arith.constant 128 : i32
          %lt3A_148 = vector.broadcast %lt3A_147 : i32 to vector<16xi32>
          %lt3A_149 = arith.cmpi slt, %add3A_146, %lt3A_148 : vector<16xi32>
          %scatter3A_150 = arith.constant 0 : i32
          %scatter3A_151 = arith.constant 0 : i32
          %scatter3A_152 = tpu.memref_slice %arg7[%scatter3A_150, %scatter3A_151] : memref<2x128xi32, #tpu.memory_space<vmem>> -> memref<1x128xi32, #tpu.memory_space<vmem>>
          %scatter3A_153 = tpu.memref_squeeze %scatter3A_152 : memref<1x128xi32, #tpu.memory_space<vmem>> -> memref<128xi32, #tpu.memory_space<vmem>>
          tpu.vector_store_idx %scatter3A_153[%add3A_146], %add3A_5 masked %lt3A_149 : memref<128xi32, #tpu.memory_space<vmem>>[vector<16xi32>], vector<16xi32>, vector<16xi1>
          %add3A_154 = arith.constant 64 : i32
          %add3A_155 = arith.addi %scan3A_63#0, %add3A_154 : i32
          %add3A_156 = vector.broadcast %add3A_155 : i32 to vector<16xi32>
          %add3A_157 = arith.addi %add3A_156, %iota3A : vector<16xi32>
          %lt3A_158 = arith.constant 128 : i32
          %lt3A_159 = vector.broadcast %lt3A_158 : i32 to vector<16xi32>
          %lt3A_160 = arith.cmpi slt, %add3A_157, %lt3A_159 : vector<16xi32>
          %scatter3A_161 = arith.constant 0 : i32
          %scatter3A_162 = arith.constant 0 : i32
          %scatter3A_163 = tpu.memref_slice %arg7[%scatter3A_161, %scatter3A_162] : memref<2x128xi32, #tpu.memory_space<vmem>> -> memref<1x128xi32, #tpu.memory_space<vmem>>
          %scatter3A_164 = tpu.memref_squeeze %scatter3A_163 : memref<1x128xi32, #tpu.memory_space<vmem>> -> memref<128xi32, #tpu.memory_space<vmem>>
          tpu.vector_store_idx %scatter3A_164[%add3A_157], %add3A_5 masked %lt3A_160 : memref<128xi32, #tpu.memory_space<vmem>>[vector<16xi32>], vector<16xi32>, vector<16xi1>
          %add3A_165 = arith.constant 80 : i32
          %add3A_166 = arith.addi %scan3A_63#0, %add3A_165 : i32
          %add3A_167 = vector.broadcast %add3A_166 : i32 to vector<16xi32>
          %add3A_168 = arith.addi %add3A_167, %iota3A : vector<16xi32>
          %lt3A_169 = arith.constant 128 : i32
          %lt3A_170 = vector.broadcast %lt3A_169 : i32 to vector<16xi32>
          %lt3A_171 = arith.cmpi slt, %add3A_168, %lt3A_170 : vector<16xi32>
          %scatter3A_172 = arith.constant 0 : i32
          %scatter3A_173 = arith.constant 0 : i32
          %scatter3A_174 = tpu.memref_slice %arg7[%scatter3A_172, %scatter3A_173] : memref<2x128xi32, #tpu.memory_space<vmem>> -> memref<1x128xi32, #tpu.memory_space<vmem>>
          %scatter3A_175 = tpu.memref_squeeze %scatter3A_174 : memref<1x128xi32, #tpu.memory_space<vmem>> -> memref<128xi32, #tpu.memory_space<vmem>>
          tpu.vector_store_idx %scatter3A_175[%add3A_168], %add3A_5 masked %lt3A_171 : memref<128xi32, #tpu.memory_space<vmem>>[vector<16xi32>], vector<16xi32>, vector<16xi1>
          %add3A_176 = arith.constant 96 : i32
          %add3A_177 = arith.addi %scan3A_63#0, %add3A_176 : i32
          %add3A_178 = vector.broadcast %add3A_177 : i32 to vector<16xi32>
          %add3A_179 = arith.addi %add3A_178, %iota3A : vector<16xi32>
          %lt3A_180 = arith.constant 128 : i32
          %lt3A_181 = vector.broadcast %lt3A_180 : i32 to vector<16xi32>
          %lt3A_182 = arith.cmpi slt, %add3A_179, %lt3A_181 : vector<16xi32>
          %scatter3A_183 = arith.constant 0 : i32
          %scatter3A_184 = arith.constant 0 : i32
          %scatter3A_185 = tpu.memref_slice %arg7[%scatter3A_183, %scatter3A_184] : memref<2x128xi32, #tpu.memory_space<vmem>> -> memref<1x128xi32, #tpu.memory_space<vmem>>
          %scatter3A_186 = tpu.memref_squeeze %scatter3A_185 : memref<1x128xi32, #tpu.memory_space<vmem>> -> memref<128xi32, #tpu.memory_space<vmem>>
          tpu.vector_store_idx %scatter3A_186[%add3A_179], %add3A_5 masked %lt3A_182 : memref<128xi32, #tpu.memory_space<vmem>>[vector<16xi32>], vector<16xi32>, vector<16xi1>
          %add3A_187 = arith.constant 112 : i32
          %add3A_188 = arith.addi %scan3A_63#0, %add3A_187 : i32
          %add3A_189 = vector.broadcast %add3A_188 : i32 to vector<16xi32>
          %add3A_190 = arith.addi %add3A_189, %iota3A : vector<16xi32>
          %lt3A_191 = arith.constant 128 : i32
          %lt3A_192 = vector.broadcast %lt3A_191 : i32 to vector<16xi32>
          %lt3A_193 = arith.cmpi slt, %add3A_190, %lt3A_192 : vector<16xi32>
          %scatter3A_194 = arith.constant 0 : i32
          %scatter3A_195 = arith.constant 0 : i32
          %scatter3A_196 = tpu.memref_slice %arg7[%scatter3A_194, %scatter3A_195] : memref<2x128xi32, #tpu.memory_space<vmem>> -> memref<1x128xi32, #tpu.memory_space<vmem>>
          %scatter3A_197 = tpu.memref_squeeze %scatter3A_196 : memref<1x128xi32, #tpu.memory_space<vmem>> -> memref<128xi32, #tpu.memory_space<vmem>>
          tpu.vector_store_idx %scatter3A_197[%add3A_190], %add3A_5 masked %lt3A_193 : memref<128xi32, #tpu.memory_space<vmem>>[vector<16xi32>], vector<16xi32>, vector<16xi1>
          %dma_start3A_198 = arith.constant 0 : i32
          %dma_start3A_199 = arith.constant 0 : i32
          %dma_start3A_200 = arith.constant 0 : i32
          %dma_start3A_201 = tpu.memref_slice %arg8[%dma_start3A_198, %dma_start3A_200] : memref<2x128xf32, #tpu.memory_space<vmem>> -> memref<1x128xf32, #tpu.memory_space<vmem>>
          %dma_start3A_202 = tpu.memref_squeeze %dma_start3A_201 : memref<1x128xf32, #tpu.memory_space<vmem>> -> memref<128xf32, #tpu.memory_space<vmem>>
          %dma_start3A_203 = arith.constant 0 : i32
          %dma_start3A_204 = tpu.memref_slice %arg7[%dma_start3A_199, %dma_start3A_203] : memref<2x128xi32, #tpu.memory_space<vmem>> -> memref<1x128xi32, #tpu.memory_space<vmem>>
          %dma_start3A_205 = tpu.memref_squeeze %dma_start3A_204 : memref<1x128xi32, #tpu.memory_space<vmem>> -> memref<128xi32, #tpu.memory_space<vmem>>
          %dma_start3A_206 = arith.constant 0 : i32
          %dma_start3A_207 = tpu.memref_slice %arg10[%dma_start3A_206] : memref<1835264xf32, #tpu.memory_space<vmem_shared>> -> memref<1835264xf32, #tpu.memory_space<vmem_shared>>
          tpu.enqueue_indirect_dma source(%dma_start3A_202 : memref<128xf32, #tpu.memory_space<vmem>>) target(%dma_start3A_207 : memref<1835264xf32, #tpu.memory_space<vmem_shared>>) offsets(%dma_start3A_205 : memref<128xi32, #tpu.memory_space<vmem>>) semaphore(%arg13 : memref<!tpu.dma_semaphore, #tpu.memory_space<semaphore_mem>>) {add = true}
        } else {
        }
        %eq3A_71 = arith.constant 1 : i32
        %eq3A_72 = arith.cmpi eq, %rem3A_65, %eq3A_71 : i32
        %and3A_73 = arith.andi %gt3A_66, %eq3A_72 : i1
        %convert_element_type3A_74 = arith.extui %and3A_73 : i1 to i32
        %cond3A_75 = arith.constant 0 : i32
        %cond3A_76 = arith.cmpi ne, %convert_element_type3A_74, %cond3A_75 : i32
        scf.if %cond3A_76 {
          %add3A_111 = arith.constant 0 : i32
          %add3A_112 = arith.addi %scan3A_63#0, %add3A_111 : i32
          %add3A_113 = vector.broadcast %add3A_112 : i32 to vector<16xi32>
          %add3A_114 = arith.addi %add3A_113, %iota3A : vector<16xi32>
          %lt3A_115 = arith.constant 128 : i32
          %lt3A_116 = vector.broadcast %lt3A_115 : i32 to vector<16xi32>
          %lt3A_117 = arith.cmpi slt, %add3A_114, %lt3A_116 : vector<16xi32>
          %scatter3A = arith.constant 1 : i32
          %scatter3A_118 = arith.constant 0 : i32
          %scatter3A_119 = tpu.memref_slice %arg7[%scatter3A, %scatter3A_118] : memref<2x128xi32, #tpu.memory_space<vmem>> -> memref<1x128xi32, #tpu.memory_space<vmem>>
          %scatter3A_120 = tpu.memref_squeeze %scatter3A_119 : memref<1x128xi32, #tpu.memory_space<vmem>> -> memref<128xi32, #tpu.memory_space<vmem>>
          tpu.vector_store_idx %scatter3A_120[%add3A_114], %add3A_5 masked %lt3A_117 : memref<128xi32, #tpu.memory_space<vmem>>[vector<16xi32>], vector<16xi32>, vector<16xi1>
          %add3A_121 = arith.constant 16 : i32
          %add3A_122 = arith.addi %scan3A_63#0, %add3A_121 : i32
          %add3A_123 = vector.broadcast %add3A_122 : i32 to vector<16xi32>
          %add3A_124 = arith.addi %add3A_123, %iota3A : vector<16xi32>
          %lt3A_125 = arith.constant 128 : i32
          %lt3A_126 = vector.broadcast %lt3A_125 : i32 to vector<16xi32>
          %lt3A_127 = arith.cmpi slt, %add3A_124, %lt3A_126 : vector<16xi32>
          %scatter3A_128 = arith.constant 1 : i32
          %scatter3A_129 = arith.constant 0 : i32
          %scatter3A_130 = tpu.memref_slice %arg7[%scatter3A_128, %scatter3A_129] : memref<2x128xi32, #tpu.memory_space<vmem>> -> memref<1x128xi32, #tpu.memory_space<vmem>>
          %scatter3A_131 = tpu.memref_squeeze %scatter3A_130 : memref<1x128xi32, #tpu.memory_space<vmem>> -> memref<128xi32, #tpu.memory_space<vmem>>
          tpu.vector_store_idx %scatter3A_131[%add3A_124], %add3A_5 masked %lt3A_127 : memref<128xi32, #tpu.memory_space<vmem>>[vector<16xi32>], vector<16xi32>, vector<16xi1>
          %add3A_132 = arith.constant 32 : i32
          %add3A_133 = arith.addi %scan3A_63#0, %add3A_132 : i32
          %add3A_134 = vector.broadcast %add3A_133 : i32 to vector<16xi32>
          %add3A_135 = arith.addi %add3A_134, %iota3A : vector<16xi32>
          %lt3A_136 = arith.constant 128 : i32
          %lt3A_137 = vector.broadcast %lt3A_136 : i32 to vector<16xi32>
          %lt3A_138 = arith.cmpi slt, %add3A_135, %lt3A_137 : vector<16xi32>
          %scatter3A_139 = arith.constant 1 : i32
          %scatter3A_140 = arith.constant 0 : i32
          %scatter3A_141 = tpu.memref_slice %arg7[%scatter3A_139, %scatter3A_140] : memref<2x128xi32, #tpu.memory_space<vmem>> -> memref<1x128xi32, #tpu.memory_space<vmem>>
          %scatter3A_142 = tpu.memref_squeeze %scatter3A_141 : memref<1x128xi32, #tpu.memory_space<vmem>> -> memref<128xi32, #tpu.memory_space<vmem>>
          tpu.vector_store_idx %scatter3A_142[%add3A_135], %add3A_5 masked %lt3A_138 : memref<128xi32, #tpu.memory_space<vmem>>[vector<16xi32>], vector<16xi32>, vector<16xi1>
          %add3A_143 = arith.constant 48 : i32
          %add3A_144 = arith.addi %scan3A_63#0, %add3A_143 : i32
          %add3A_145 = vector.broadcast %add3A_144 : i32 to vector<16xi32>
          %add3A_146 = arith.addi %add3A_145, %iota3A : vector<16xi32>
          %lt3A_147 = arith.constant 128 : i32
          %lt3A_148 = vector.broadcast %lt3A_147 : i32 to vector<16xi32>
          %lt3A_149 = arith.cmpi slt, %add3A_146, %lt3A_148 : vector<16xi32>
          %scatter3A_150 = arith.constant 1 : i32
          %scatter3A_151 = arith.constant 0 : i32
          %scatter3A_152 = tpu.memref_slice %arg7[%scatter3A_150, %scatter3A_151] : memref<2x128xi32, #tpu.memory_space<vmem>> -> memref<1x128xi32, #tpu.memory_space<vmem>>
          %scatter3A_153 = tpu.memref_squeeze %scatter3A_152 : memref<1x128xi32, #tpu.memory_space<vmem>> -> memref<128xi32, #tpu.memory_space<vmem>>
          tpu.vector_store_idx %scatter3A_153[%add3A_146], %add3A_5 masked %lt3A_149 : memref<128xi32, #tpu.memory_space<vmem>>[vector<16xi32>], vector<16xi32>, vector<16xi1>
          %add3A_154 = arith.constant 64 : i32
          %add3A_155 = arith.addi %scan3A_63#0, %add3A_154 : i32
          %add3A_156 = vector.broadcast %add3A_155 : i32 to vector<16xi32>
          %add3A_157 = arith.addi %add3A_156, %iota3A : vector<16xi32>
          %lt3A_158 = arith.constant 128 : i32
          %lt3A_159 = vector.broadcast %lt3A_158 : i32 to vector<16xi32>
          %lt3A_160 = arith.cmpi slt, %add3A_157, %lt3A_159 : vector<16xi32>
          %scatter3A_161 = arith.constant 1 : i32
          %scatter3A_162 = arith.constant 0 : i32
          %scatter3A_163 = tpu.memref_slice %arg7[%scatter3A_161, %scatter3A_162] : memref<2x128xi32, #tpu.memory_space<vmem>> -> memref<1x128xi32, #tpu.memory_space<vmem>>
          %scatter3A_164 = tpu.memref_squeeze %scatter3A_163 : memref<1x128xi32, #tpu.memory_space<vmem>> -> memref<128xi32, #tpu.memory_space<vmem>>
          tpu.vector_store_idx %scatter3A_164[%add3A_157], %add3A_5 masked %lt3A_160 : memref<128xi32, #tpu.memory_space<vmem>>[vector<16xi32>], vector<16xi32>, vector<16xi1>
          %add3A_165 = arith.constant 80 : i32
          %add3A_166 = arith.addi %scan3A_63#0, %add3A_165 : i32
          %add3A_167 = vector.broadcast %add3A_166 : i32 to vector<16xi32>
          %add3A_168 = arith.addi %add3A_167, %iota3A : vector<16xi32>
          %lt3A_169 = arith.constant 128 : i32
          %lt3A_170 = vector.broadcast %lt3A_169 : i32 to vector<16xi32>
          %lt3A_171 = arith.cmpi slt, %add3A_168, %lt3A_170 : vector<16xi32>
          %scatter3A_172 = arith.constant 1 : i32
          %scatter3A_173 = arith.constant 0 : i32
          %scatter3A_174 = tpu.memref_slice %arg7[%scatter3A_172, %scatter3A_173] : memref<2x128xi32, #tpu.memory_space<vmem>> -> memref<1x128xi32, #tpu.memory_space<vmem>>
          %scatter3A_175 = tpu.memref_squeeze %scatter3A_174 : memref<1x128xi32, #tpu.memory_space<vmem>> -> memref<128xi32, #tpu.memory_space<vmem>>
          tpu.vector_store_idx %scatter3A_175[%add3A_168], %add3A_5 masked %lt3A_171 : memref<128xi32, #tpu.memory_space<vmem>>[vector<16xi32>], vector<16xi32>, vector<16xi1>
          %add3A_176 = arith.constant 96 : i32
          %add3A_177 = arith.addi %scan3A_63#0, %add3A_176 : i32
          %add3A_178 = vector.broadcast %add3A_177 : i32 to vector<16xi32>
          %add3A_179 = arith.addi %add3A_178, %iota3A : vector<16xi32>
          %lt3A_180 = arith.constant 128 : i32
          %lt3A_181 = vector.broadcast %lt3A_180 : i32 to vector<16xi32>
          %lt3A_182 = arith.cmpi slt, %add3A_179, %lt3A_181 : vector<16xi32>
          %scatter3A_183 = arith.constant 1 : i32
          %scatter3A_184 = arith.constant 0 : i32
          %scatter3A_185 = tpu.memref_slice %arg7[%scatter3A_183, %scatter3A_184] : memref<2x128xi32, #tpu.memory_space<vmem>> -> memref<1x128xi32, #tpu.memory_space<vmem>>
          %scatter3A_186 = tpu.memref_squeeze %scatter3A_185 : memref<1x128xi32, #tpu.memory_space<vmem>> -> memref<128xi32, #tpu.memory_space<vmem>>
          tpu.vector_store_idx %scatter3A_186[%add3A_179], %add3A_5 masked %lt3A_182 : memref<128xi32, #tpu.memory_space<vmem>>[vector<16xi32>], vector<16xi32>, vector<16xi1>
          %add3A_187 = arith.constant 112 : i32
          %add3A_188 = arith.addi %scan3A_63#0, %add3A_187 : i32
          %add3A_189 = vector.broadcast %add3A_188 : i32 to vector<16xi32>
          %add3A_190 = arith.addi %add3A_189, %iota3A : vector<16xi32>
          %lt3A_191 = arith.constant 128 : i32
          %lt3A_192 = vector.broadcast %lt3A_191 : i32 to vector<16xi32>
          %lt3A_193 = arith.cmpi slt, %add3A_190, %lt3A_192 : vector<16xi32>
          %scatter3A_194 = arith.constant 1 : i32
          %scatter3A_195 = arith.constant 0 : i32
          %scatter3A_196 = tpu.memref_slice %arg7[%scatter3A_194, %scatter3A_195] : memref<2x128xi32, #tpu.memory_space<vmem>> -> memref<1x128xi32, #tpu.memory_space<vmem>>
          %scatter3A_197 = tpu.memref_squeeze %scatter3A_196 : memref<1x128xi32, #tpu.memory_space<vmem>> -> memref<128xi32, #tpu.memory_space<vmem>>
          tpu.vector_store_idx %scatter3A_197[%add3A_190], %add3A_5 masked %lt3A_193 : memref<128xi32, #tpu.memory_space<vmem>>[vector<16xi32>], vector<16xi32>, vector<16xi1>
          %dma_start3A_198 = arith.constant 1 : i32
          %dma_start3A_199 = arith.constant 1 : i32
          %dma_start3A_200 = arith.constant 0 : i32
          %dma_start3A_201 = tpu.memref_slice %arg8[%dma_start3A_198, %dma_start3A_200] : memref<2x128xf32, #tpu.memory_space<vmem>> -> memref<1x128xf32, #tpu.memory_space<vmem>>
          %dma_start3A_202 = tpu.memref_squeeze %dma_start3A_201 : memref<1x128xf32, #tpu.memory_space<vmem>> -> memref<128xf32, #tpu.memory_space<vmem>>
          %dma_start3A_203 = arith.constant 0 : i32
          %dma_start3A_204 = tpu.memref_slice %arg7[%dma_start3A_199, %dma_start3A_203] : memref<2x128xi32, #tpu.memory_space<vmem>> -> memref<1x128xi32, #tpu.memory_space<vmem>>
          %dma_start3A_205 = tpu.memref_squeeze %dma_start3A_204 : memref<1x128xi32, #tpu.memory_space<vmem>> -> memref<128xi32, #tpu.memory_space<vmem>>
          %dma_start3A_206 = arith.constant 0 : i32
          %dma_start3A_207 = tpu.memref_slice %arg10[%dma_start3A_206] : memref<1835264xf32, #tpu.memory_space<vmem_shared>> -> memref<1835264xf32, #tpu.memory_space<vmem_shared>>
          tpu.enqueue_indirect_dma source(%dma_start3A_202 : memref<128xf32, #tpu.memory_space<vmem>>) target(%dma_start3A_207 : memref<1835264xf32, #tpu.memory_space<vmem_shared>>) offsets(%dma_start3A_205 : memref<128xi32, #tpu.memory_space<vmem>>) semaphore(%arg14 : memref<!tpu.dma_semaphore, #tpu.memory_space<semaphore_mem>>) {add = true}
        } else {
        }
        %ge3A = arith.constant 1 : i32
        %ge3A_77 = arith.cmpi sge, %scan3A_63#1, %ge3A : i32
        %eq3A_78 = arith.constant 1 : i32
        %eq3A_79 = arith.cmpi eq, %rem3A_65, %eq3A_78 : i32
        %and3A_80 = arith.andi %ge3A_77, %eq3A_79 : i1
        %convert_element_type3A_81 = arith.extui %and3A_80 : i1 to i32
        %cond3A_82 = arith.constant 0 : i32
        %cond3A_83 = arith.cmpi ne, %convert_element_type3A_81, %cond3A_82 : i32
        scf.if %cond3A_83 {
          %dma_wait3A = arith.constant 0 : i32
          %dma_wait3A_111 = arith.constant 0 : i32
          %dma_wait3A_112 = arith.constant 0 : i32
          %dma_wait3A_113 = tpu.memref_slice %arg8[%dma_wait3A, %dma_wait3A_112] : memref<2x128xf32, #tpu.memory_space<vmem>> -> memref<1x128xf32, #tpu.memory_space<vmem>>
          %dma_wait3A_114 = tpu.memref_squeeze %dma_wait3A_113 : memref<1x128xf32, #tpu.memory_space<vmem>> -> memref<128xf32, #tpu.memory_space<vmem>>
          %dma_wait3A_115 = arith.constant 0 : i32
          %dma_wait3A_116 = tpu.memref_slice %arg7[%dma_wait3A_111, %dma_wait3A_115] : memref<2x128xi32, #tpu.memory_space<vmem>> -> memref<1x128xi32, #tpu.memory_space<vmem>>
          %dma_wait3A_117 = tpu.memref_squeeze %dma_wait3A_116 : memref<1x128xi32, #tpu.memory_space<vmem>> -> memref<128xi32, #tpu.memory_space<vmem>>
          %dma_wait3A_118 = arith.constant 0 : i32
          %dma_wait3A_119 = tpu.memref_slice %arg10[%dma_wait3A_118] : memref<1835264xf32, #tpu.memory_space<vmem_shared>> -> memref<1835264xf32, #tpu.memory_space<vmem_shared>>
          tpu.wait_indirect_dma semaphore(%arg13 : memref<!tpu.dma_semaphore, #tpu.memory_space<semaphore_mem>>) src(%dma_wait3A_114 : memref<128xf32, #tpu.memory_space<vmem>>) dst(%dma_wait3A_119 : memref<1835264xf32, #tpu.memory_space<vmem_shared>>)
        } else {
        }
        %ge3A_84 = arith.constant 1 : i32
        %ge3A_85 = arith.cmpi sge, %scan3A_63#1, %ge3A_84 : i32
        %eq3A_86 = arith.constant 0 : i32
        %eq3A_87 = arith.cmpi eq, %rem3A_65, %eq3A_86 : i32
        %and3A_88 = arith.andi %ge3A_85, %eq3A_87 : i1
        %convert_element_type3A_89 = arith.extui %and3A_88 : i1 to i32
        %cond3A_90 = arith.constant 0 : i32
        %cond3A_91 = arith.cmpi ne, %convert_element_type3A_89, %cond3A_90 : i32
        scf.if %cond3A_91 {
          %dma_wait3A = arith.constant 1 : i32
          %dma_wait3A_111 = arith.constant 1 : i32
          %dma_wait3A_112 = arith.constant 0 : i32
          %dma_wait3A_113 = tpu.memref_slice %arg8[%dma_wait3A, %dma_wait3A_112] : memref<2x128xf32, #tpu.memory_space<vmem>> -> memref<1x128xf32, #tpu.memory_space<vmem>>
          %dma_wait3A_114 = tpu.memref_squeeze %dma_wait3A_113 : memref<1x128xf32, #tpu.memory_space<vmem>> -> memref<128xf32, #tpu.memory_space<vmem>>
          %dma_wait3A_115 = arith.constant 0 : i32
          %dma_wait3A_116 = tpu.memref_slice %arg7[%dma_wait3A_111, %dma_wait3A_115] : memref<2x128xi32, #tpu.memory_space<vmem>> -> memref<1x128xi32, #tpu.memory_space<vmem>>
          %dma_wait3A_117 = tpu.memref_squeeze %dma_wait3A_116 : memref<1x128xi32, #tpu.memory_space<vmem>> -> memref<128xi32, #tpu.memory_space<vmem>>
          %dma_wait3A_118 = arith.constant 0 : i32
          %dma_wait3A_119 = tpu.memref_slice %arg10[%dma_wait3A_118] : memref<1835264xf32, #tpu.memory_space<vmem_shared>> -> memref<1835264xf32, #tpu.memory_space<vmem_shared>>
          tpu.wait_indirect_dma semaphore(%arg14 : memref<!tpu.dma_semaphore, #tpu.memory_space<semaphore_mem>>) src(%dma_wait3A_114 : memref<128xf32, #tpu.memory_space<vmem>>) dst(%dma_wait3A_119 : memref<1835264xf32, #tpu.memory_space<vmem_shared>>)
        } else {
        }
        %eq3A_92 = arith.constant 0 : i32
        %eq3A_93 = arith.cmpi eq, %rem3A_65, %eq3A_92 : i32
        %and3A_94 = arith.andi %gt3A_66, %eq3A_93 : i1
        %convert_element_type3A_95 = arith.extui %and3A_94 : i1 to i32
        %cond3A_96 = arith.constant 0 : i32
        %cond3A_97 = arith.cmpi ne, %convert_element_type3A_95, %cond3A_96 : i32
        scf.if %cond3A_97 {
          %dma_wait3A = arith.constant 0 : i32
          %dma_wait3A_111 = arith.constant 0 : i32
          %dma_wait3A_112 = arith.constant 0 : i32
          %dma_wait3A_113 = tpu.memref_slice %arg8[%dma_wait3A, %dma_wait3A_112] : memref<2x128xf32, #tpu.memory_space<vmem>> -> memref<1x128xf32, #tpu.memory_space<vmem>>
          %dma_wait3A_114 = tpu.memref_squeeze %dma_wait3A_113 : memref<1x128xf32, #tpu.memory_space<vmem>> -> memref<128xf32, #tpu.memory_space<vmem>>
          %dma_wait3A_115 = arith.constant 0 : i32
          %dma_wait3A_116 = tpu.memref_slice %arg7[%dma_wait3A_111, %dma_wait3A_115] : memref<2x128xi32, #tpu.memory_space<vmem>> -> memref<1x128xi32, #tpu.memory_space<vmem>>
          %dma_wait3A_117 = tpu.memref_squeeze %dma_wait3A_116 : memref<1x128xi32, #tpu.memory_space<vmem>> -> memref<128xi32, #tpu.memory_space<vmem>>
          %dma_wait3A_118 = arith.constant 0 : i32
          %dma_wait3A_119 = tpu.memref_slice %arg10[%dma_wait3A_118] : memref<1835264xf32, #tpu.memory_space<vmem_shared>> -> memref<1835264xf32, #tpu.memory_space<vmem_shared>>
          tpu.wait_indirect_dma semaphore(%arg13 : memref<!tpu.dma_semaphore, #tpu.memory_space<semaphore_mem>>) src(%dma_wait3A_114 : memref<128xf32, #tpu.memory_space<vmem>>) dst(%dma_wait3A_119 : memref<1835264xf32, #tpu.memory_space<vmem_shared>>)
        } else {
        }
        %eq3A_98 = arith.constant 1 : i32
        %eq3A_99 = arith.cmpi eq, %rem3A_65, %eq3A_98 : i32
        %and3A_100 = arith.andi %gt3A_66, %eq3A_99 : i1
        %convert_element_type3A_101 = arith.extui %and3A_100 : i1 to i32
        %cond3A_102 = arith.constant 0 : i32
        %cond3A_103 = arith.cmpi ne, %convert_element_type3A_101, %cond3A_102 : i32
        scf.if %cond3A_103 {
          %dma_wait3A = arith.constant 1 : i32
          %dma_wait3A_111 = arith.constant 1 : i32
          %dma_wait3A_112 = arith.constant 0 : i32
          %dma_wait3A_113 = tpu.memref_slice %arg8[%dma_wait3A, %dma_wait3A_112] : memref<2x128xf32, #tpu.memory_space<vmem>> -> memref<1x128xf32, #tpu.memory_space<vmem>>
          %dma_wait3A_114 = tpu.memref_squeeze %dma_wait3A_113 : memref<1x128xf32, #tpu.memory_space<vmem>> -> memref<128xf32, #tpu.memory_space<vmem>>
          %dma_wait3A_115 = arith.constant 0 : i32
          %dma_wait3A_116 = tpu.memref_slice %arg7[%dma_wait3A_111, %dma_wait3A_115] : memref<2x128xi32, #tpu.memory_space<vmem>> -> memref<1x128xi32, #tpu.memory_space<vmem>>
          %dma_wait3A_117 = tpu.memref_squeeze %dma_wait3A_116 : memref<1x128xi32, #tpu.memory_space<vmem>> -> memref<128xi32, #tpu.memory_space<vmem>>
          %dma_wait3A_118 = arith.constant 0 : i32
          %dma_wait3A_119 = tpu.memref_slice %arg10[%dma_wait3A_118] : memref<1835264xf32, #tpu.memory_space<vmem_shared>> -> memref<1835264xf32, #tpu.memory_space<vmem_shared>>
          tpu.wait_indirect_dma semaphore(%arg14 : memref<!tpu.dma_semaphore, #tpu.memory_space<semaphore_mem>>) src(%dma_wait3A_114 : memref<128xf32, #tpu.memory_space<vmem>>) dst(%dma_wait3A_119 : memref<1835264xf32, #tpu.memory_space<vmem_shared>>)
        } else {
        }
        %barrier3A_104 = arith.constant 0 : index
        tpu.barrier barrier_id(%barrier3A_104)
        %mul3A_105 = arith.constant 114688 : i32
        %mul3A_106 = arith.muli %arg1, %mul3A_105 : i32
        %mul3A_107 = arith.constant 114688 : i32
        %mul3A_108 = arith.muli %arg1, %mul3A_107 : i32
        %add3A_109 = arith.addi %mul3A_25, %mul3A_108 : i32
        "tpu.region"() ({
          %run_scoped3A = tpu.sem_alloc : memref<!tpu.dma_semaphore, #tpu.memory_space<semaphore_mem>>
          %dma_start3A_111 = tpu.memref_slice %arg4[%add3A_109] : memref<38535168xf32, #tpu.memory_space<hbm>> -> memref<114688xf32, #tpu.memory_space<hbm>>
          %dma_start3A_112 = tpu.memref_slice %arg10[%mul3A_106] : memref<1835264xf32, #tpu.memory_space<vmem_shared>> -> memref<114688xf32, #tpu.memory_space<vmem_shared>>
          tpu.enqueue_dma source(%dma_start3A_112 : memref<114688xf32, #tpu.memory_space<vmem_shared>>) target(%dma_start3A_111 : memref<114688xf32, #tpu.memory_space<hbm>>) target_semaphore(%run_scoped3A : memref<!tpu.dma_semaphore, #tpu.memory_space<semaphore_mem>>)
          %dma_wait3A = tpu.memref_slice %arg4[%add3A_109] : memref<38535168xf32, #tpu.memory_space<hbm>> -> memref<114688xf32, #tpu.memory_space<hbm>>
          %dma_wait3A_113 = tpu.memref_slice %arg10[%mul3A_106] : memref<1835264xf32, #tpu.memory_space<vmem_shared>> -> memref<114688xf32, #tpu.memory_space<vmem_shared>>
          tpu.wait_dma2 semaphore(%run_scoped3A : memref<!tpu.dma_semaphore, #tpu.memory_space<semaphore_mem>>) src(%dma_wait3A_113 : memref<114688xf32, #tpu.memory_space<vmem_shared>>) dst(%dma_wait3A : memref<114688xf32, #tpu.memory_space<hbm>>)
          tpu.yield
        }) : () -> ()
        %barrier3A_110 = arith.constant 0 : index
        tpu.barrier barrier_id(%barrier3A_110)
      } else {
      }
    }
    %scan3A_17 = arith.constant 11 : i32
    return
  }
}

</mosaic_0001>

<sc_bundles>
// kernel: kernel.3.cloned.1.call-start
scs
__scs_entry_jumppad:
0x0: {  	(pc) =	sbr.rel $0x88, $3  }
0x1: {  	(tag) =	ssettag $0x0;
	lr =	simm.s32 $0x1  }
0x2: {  	[smem:$0x3F9F] =	sst lr;
	_ =	strace $0xD0000000  }
0x3: {  	_ = 	snop  }
0x4: {  	_ = 	snop  }
0x5: {  	_ = 	snop  }
0x6: {  	_ = 	snop  }
0x7: {  	_ = 	snop  }
__scs_overlays_trampoline_lowered:
0x8: {  	[smem:$0x3FAE] =	sst s0  }
0x9: {  	[smem:$0x3FAF] =	sst s1  }
0xa: {  	[smem:$0x3FB0] =	sst s2  }
0xb: {  	[smem:$0x3FB1] =	sst s3  }
0xc: {  	[smem:$0x3FB2] =	sst s4  }
0xd: {  	[smem:$0x3FB3] =	sst s5  }
0xe: {  	[smem:$0x3FB4] =	sst s6  }
0xf: {  	[smem:$0x3FB5] =	sst s7  }
0x10: {  	[smem:$0x3FB6] =	sst s8  }
0x11: {  	[smem:$0x3FB7] =	sst s9;
	s0 =	simm.s32 @!p0 $0x0  }
0x12: {  	s1 =	sld [smem:$0x3F9D];
	s0 =	simm.s32 @p0 $0x1  }
0x13: {  	[smem:$0x3FB8] =	sst s0;
	s0 =	simm.s32 @!p1 $0x0  }
0x14: {  	s2 =	sld [smem:$0x3F9C];
	s0 =	simm.s32 @p1 $0x1  }
0x15: {  	[smem:$0x3FB9] =	sst s0;
	s0 =	simm.s32 @!p2 $0x0  }
0x16: {  	s3 =	sld [smem:$0x3FDB];
	s0 =	simm.s32 @p2 $0x1  }
0x17: {  	s4 =	simm.s32 $0x1BF5;
	[smem:$0x3FBB] =	sst s0  }
0x18: {  	s0 =	sld [smem:$0x3F9E];
	_ =	swait.ge [sflag:s4], $0x0  }
0x19: {  	s7 =	sld [smem:$0x3F9F]  }
0x1a: {  	s8 =	sadd.s32 $0xFFFFE003, lr  }
0x1b: {  	s9 =	sadd.s32 $0xFFFFFEF7, lr;
	s5 =	simm.s32 $0xFFFFFFFF;
	p2 =	slt.u32 s8, $0xFFFFF086  }
0x1c: {  	p1 =	slt.u32 s9, $0xF7A;
	s5 =	simm.s32 @!p2 $0x0  }
0x1d: {  	s5 =	simm.s32 @p1 $0x1;
	p0 =	seq.s32 s7, s2  }
0x1e: {  	s7 =	smul.u32 @!p0 $0xF7A, s2;
	p2 =	seq.s32 @!p0 s5, $0x0  }
0x1f: {  	s9 =	smul.u32 $0xF7A, s1;
	s8 =	simm.s32 @!p0 $0x1BF5;
	p2 =	por !p2, p0  }
0x20: {  	[sflag:s8] =	ssyncset.s32 @!p0 $0xFFFFF086;
	s6 =	sadd.s32 @!p0 s3, s7;
	s7 =	simm.s32 @!p0 $0x108  }
0x21: {  	s3 =	sadd.s32 s3, s9;
	s6 =	sadd.s32 @!p0 $0x88, s6;
	s7 =	simm.s32 @p2 $0x1082  }
0x22: {  	[simem:s7], [sflag:s8] =	dma.local @!p0 [hbm:s6], $0xF7A  }
0x23: {  	s9 =	sor.u32 $0xD0000000, s2;
	s6 =	simm.s32 $0x108;
	_ =	swait.ge @!p0 [sflag:s8], $0x0  }
0x24: {  	s3 =	sadd.s32 $0x88, s3;
	s6 =	simm.s32 @!p1 $0x1082;
	[sflag:s4] =	ssyncset.s32 $0xFFFFF086  }
0x25: {  	[simem:s6], [sflag:s4] =	dma.local [hbm:s3], $0xF7A  }
0x26: {  	[smem:$0x3F9F] =	sst s1;
	(tag) =	ssettag s2;
	_ =	strace s9  }
0x27: {  	s1 =	sld [smem:$0x3FAF]  }
0x28: {  	s2 =	sld [smem:$0x3FB0]  }
0x29: {  	s4 =	sld [smem:$0x3FB2]  }
0x2a: {  	p0 =	seq.s32 s5, $0x0;
	s5 =	sld [smem:$0x3FB3]  }
0x2b: {  	s6 =	sld [smem:$0x3FB4]  }
0x2c: {  	s7 =	sld [smem:$0x3FB5]  }
0x2d: {  	s3 =	simm.s32 $0x108;
	s8 =	sld [smem:$0x3FB6]  }
0x2e: {  	s3 =	simm.s32 @!p0 $0x1082;
	s9 =	sld [smem:$0x3FB7]  }
0x2f: {  	lr =	sadd.s32 s0, s3;
	s0 =	sld [smem:$0x3FAE]  }
0x30: {  	s3 =	sld [smem:$0x3FB1]  }
0x31: {  	[smem:$0x3FBA] =	sst s10  }
0x32: {  	s10 =	sld [smem:$0x3FB8];
	_ =	sdelay $0x3  }
0x33: {  	p0 =	seq.s32 s10, $0x1;
	s10 =	sld [smem:$0x3FBA];
	_ =	sdelay $0x3  }
0x34: {  	[smem:$0x3FBA] =	sst s10  }
0x35: {  	s10 =	sld [smem:$0x3FB9];
	_ =	sdelay $0x3  }
0x36: {  	p1 =	seq.s32 s10, $0x1;
	s10 =	sld [smem:$0x3FBA];
	_ =	sdelay $0x3  }
0x37: {  	[smem:$0x3FBA] =	sst s10  }
0x38: {  	s10 =	sld [smem:$0x3FBB]  }
0x39: {  	_ = 	snop;
	(pc) =	sbr.ind lr, $3  }
0x3a: {  	_ = 	snop  }
0x3b: {  	_ = 	snop  }
0x3c: {  	p2 =	seq.s32 s10, $0x1;
	s10 =	sld [smem:$0x3FBA]  }
0x3d: {  	_ =	shalt  }
0x3e: {  	_ =	shalt  }
0x3f: {  	_ =	shalt  }
0x40: {  	_ =	shalt  }
0x41: {  	_ =	shalt  }
0x42: {  	_ =	shalt  }
0x43: {  	_ =	shalt  }
0x44: {  	_ =	shalt  }
0x45: {  	_ =	shalt  }
0x46: {  	_ =	shalt  }
0x47: {  	_ =	shalt  }
0x48: {  	_ =	shalt  }
0x49: {  	_ =	shalt  }
0x4a: {  	_ =	shalt  }
0x4b: {  	_ =	shalt  }
0x4c: {  	_ =	shalt  }
0x4d: {  	_ =	shalt  }
0x4e: {  	_ =	shalt  }
0x4f: {  	_ =	shalt  }
0x50: {  	_ =	shalt  }
0x51: {  	_ =	shalt  }
0x52: {  	_ =	shalt  }
0x53: {  	_ =	shalt  }
0x54: {  	_ =	shalt  }
0x55: {  	_ =	shalt  }
0x56: {  	_ =	shalt  }
0x57: {  	_ =	shalt  }
0x58: {  	_ =	shalt  }
0x59: {  	_ =	shalt  }
0x5a: {  	_ =	shalt  }
0x5b: {  	_ =	shalt  }
0x5c: {  	_ =	shalt  }
0x5d: {  	_ =	shalt  }
0x5e: {  	_ =	shalt  }
0x5f: {  	_ =	shalt  }
0x60: {  	_ =	shalt  }
0x61: {  	_ =	shalt  }
0x62: {  	_ =	shalt  }
0x63: {  	_ =	shalt  }
0x64: {  	_ =	shalt  }
0x65: {  	_ =	shalt  }
0x66: {  	_ =	shalt  }
0x67: {  	_ =	shalt  }
0x68: {  	_ =	shalt  }
0x69: {  	_ =	shalt  }
0x6a: {  	_ =	shalt  }
0x6b: {  	_ =	shalt  }
0x6c: {  	_ =	shalt  }
0x6d: {  	_ =	shalt  }
0x6e: {  	_ =	shalt  }
0x6f: {  	_ =	shalt  }
0x70: {  	_ =	shalt  }
0x71: {  	_ =	shalt  }
0x72: {  	_ =	shalt  }
0x73: {  	_ =	shalt  }
0x74: {  	_ =	shalt  }
0x75: {  	_ =	shalt  }
0x76: {  	_ =	shalt  }
0x77: {  	_ =	shalt  }
0x78: {  	_ =	shalt  }
0x79: {  	_ =	shalt  }
0x7a: {  	_ =	shalt  }
0x7b: {  	_ =	shalt  }
0x7c: {  	_ =	shalt  }
0x7d: {  	_ =	shalt  }
0x7e: {  	_ =	shalt  }
0x7f: {  	_ =	shalt  }
0x80: {  	_ =	shalt  }
0x81: {  	_ =	shalt  }
0x82: {  	_ =	shalt  }
0x83: {  	_ =	shalt  }
0x84: {  	_ =	shalt  }
0x85: {  	_ =	shalt  }
0x86: {  	_ =	shalt  }
0x87: {  	_ =	shalt  }
.Lfunc_end0:
.L_simem_size_0:
called_computation.1_lowered:
.L_overlay_start_0:
0x88: {  	s2 =	sld [smem:$0x3FD9]  }
0x89: {  	s3 =	sld [smem:$0x3FFE];
	_ =	sdelay $0x1  }
0x8a: {  	s1 =	srdreg.scid  }
0x8b: {  	s0 =	sand.u32 $0x1, s1  }
0x8c: {  	s17 =	sshll.u32 s0, $0xA;
	s2 =	sadd.s32 s3, s2  }
0x8d: {  	s2 =	sadd.s32 s2, s17  }
0x8e: {  	[smem:$0x3FC6] =	sst s2  }
0x8f: {  	_ = 	snop  }
0x90: {  	s2 =	sld [smem:$0x3FD0];
	(tm) =	ssettm $0x1  }
0x91: {  	s18 =	sld [smem:$0x3FFB];
	_ =	sdelay $0x3  }
0x92: {  	_ =	strace s18  }
0x93: {  	s3 =	sld [smem:$0x3FFC];
	_ =	sdelay $0x3  }
0x94: {  	_ =	strace s3  }
0x95: {  	s3 =	sld [smem:$0x3FFD];
	_ =	sdelay $0x3  }
0x96: {  	_ =	strace s3  }
0x97: {  	_ =	strace $0x8FFFFFFF  }
0x98: {  	s19 =	sld [smem:$0x3FDB];
	_ =	sdelay $0x1  }
0x99: {  	s4 =	simm.s32 $_scs_section_size  }
0x9a: {  	s5 =	simm.s32 $_size__tile_overlayer_lowered;
	s6 =	simm.s32 $_tile_overlayer_lowered  }
0x9b: {  	s22 =	simm.s32 $0x1BFF;
	s21 =	sshll.u32 s6, $0x1;
	s3 =	sadd.s32 s4, s19  }
0x9c: {  	s7 =	simm.s32 $0x0;
	s20 =	sshll.u32 s5, $0x1;
	s5 =	sadd.s32 s21, s3  }
0x9d: {  	[timem:s7], [sflag:s22] =	dma.local [hbm:s5], s20  }
0x9e: {  	_ =	swait.ge [sflag:s22], s20  }
0x9f: {  	s4 =	ssub.s32 $0x0, s20;
	[sflag:s22] =	ssyncset.done $0x0  }
0xa0: {  	[sflag:s22] =	ssyncadd.s32 s4;
	_ =	sdelay $0x1  }
0xa1: {  	s23 =	simm.s32 $0x1B8B  }
0xa2: {  	_ =	swait.ge [sflag:s23], $0x1  }
0xa3: {  	[sflag:s23] =	ssyncset.done $0x0  }
0xa4: {  	s25 =	simm.s32 $0x1B8E;
	s24 =	sld [smem:$0x3FFE];
	[sflag:s23] =	ssyncadd.s32 $0xFFFFFFFF  }
0xa5: {  	s26 =	simm.s32 $execute0_lowered;
	[smem:$0x3FD2] =	sst s25  }
0xa6: {  	s5 =	sshll.u32 s26, $0x1;
	_ =	strace $0x80000046;
	[dreg:$0x1] =	wrdreg $0xFFFFFFFF  }
0xa7: {  	s28 =	simm.s32 $_size_execute0_lowered;
	s3 =	sadd.s32 s3, s5;
	[dreg:$0x0] =	wrdreg $0x0  }
0xa8: {  	s5 =	sshll.u32 s28, $0x1;
	[dreg:$0x2] =	wrdreg s3  }
0xa9: {  	[dreg:$0x3] =	wrdreg s5  }
0xaa: {  	[dreg:$0x4] =	wrdreg $0xC0  }
0xab: {  	_ =	task [dreg:s7], $0x5FFFF  }
0xac: {  	[dreg:$0x1] =	wrdreg $0xFFFFFFFF  }
0xad: {  	[dreg:$0x0] =	wrdreg $0x60  }
0xae: {  	[dreg:$0x2] =	wrdreg s24  }
0xaf: {  	[dreg:$0x3] =	wrdreg s2  }
0xb0: {  	[dreg:$0x4] =	wrdreg $0x2A000  }
0xb1: {  	[dreg:$0x5] =	wrdreg $0x9  }
0xb2: {  	_ =	task.clear_ibuf [dreg:s7], $0x6FFFF;
	_ =	strace $0x90000046  }
0xb3: {  	s29 =	simm.s32 $0x9;
	_ =	strace $0x80000048  }
0xb4: {  	_ =	swait.ge [sflag:s29], $0x1  }
0xb5: {  	[sflag:s29] =	ssyncadd.s32 $0xFFFFFFFF  }
0xb6: {  	_ =	strace $0x90000048  }
0xb7: {  	_ =	sfence  }
0xb8: {  	s30 =	sld [smem:$0x0];
	_ =	sdelay $0x2  }
0xb9: {  	s31 =	sshll.u32 s1, $0xD;
	s1 =	sshrl.u32 s1, $0x2  }
0xba: {  	s3 =	sand.u32 $0x4000, s31;
	s1 =	sadd.s32 s1, s30  }
0xbb: {  	s0 =	sor.u32 s3, s0;
	s1 =	sshll.u32 s1, $0x11  }
0xbc: {  	s0 =	sor.u32 s1, s0  }
0xbd: {  	s0 =	sadd.s32 $0x8F2B, s0  }
0xbe: {  	[sflag:s0] =	ssyncadd.remote.s32 $0x1  }
0xbf: {  	_ =	sfence.sel $0xFFFF  }
0xc0: {  	[dreg:$0x0] =	wrdreg $0xFFFFFFFF;
	(pc) =	sbr.abs _section_cstart, $3  }
0xc1: {  	[dreg:$0x1] =	wrdreg $0xFFFFFFFF  }
0xc2: {  	_ =	task.clear_ibuf [dreg:s7], $0x2FFFF;
	_ =	strace $0x9FFFFFFF  }
0xc3: {  	(tm) =	ssettm $0x7FFFFFFF  }
tec
execute0_lowered:
.L_overlay_start_1:
0x0: {  	(tag) =	ssettag $0x1  }
0x1: {  	s0 =	rddreg [dreg:$0x0]  }
0x2: {  	s2 =	rddreg [dreg:$0x2];
	s3 =	simm.s32 $0x0  }
0x3: {  	s1 =	srdreg.scid;
	s9 =	stileid.u32;
	s15 =	simm.s32 $0x2200  }
0x4: {  	s16 =	simm.s32 $0x5;
	s29 =	simm.s32 $0x2;
	s30 =	simm.s32 $0x2000  }
0x5: {  	s31 =	simm.s32 $0x80;
	s14 =	simm.s32 $0x1;
	[smem:$0x7FF] =	sst s3  }
0x6: {  	s10 =	sand.u32 $0x1, s1;
	s6 =	sadd.s32 $0x126800, s0;
	s4 =	smul.u32 $0x70040, s9  }
0x7: {  	s7 =	sadd.s32 $0x800, s0;
	s5 =	smul.u32 $0x93000, s9;
	s24 =	sshll.u32 s9, $0x4  }
0x8: {  	s9 =	smul.u32 $0x1C000, s9;
	_ =	strace $0x80000047;
	s1 =	ssub.s32 $0x2, s10  }
0x9: {  	[dreg:$0x4] =	wrdreg s10;
	s23 =	sshrl.u32 s1, $0x1;
	s4 =	sshrl.u32 s4, $0x2  }
0xa: {  	s25 =	sshrl.u32 s5, $0x3;
	s13 =	sor.u32 $0x800, s5;
	[dreg:$0x5] =	wrdreg s9  }
.Ltmp0:
0xb: {  	s26 =	sadd.s32 s9, s2;
	s0 =	ssub.s32 s1, s23;
	(pc) =	sbr.rel .LBB2_1-.Ltmp0, $4  }
0xc: {  	s8 =	sadd.s32 s4, s2;
	s1 =	sor.u32 $0x1C0000, s24;
	s28 =	sshrl.u32 s26, $0x3  }
0xd: {  	s12 =	sadd.s32 s7, s25;
	s11 =	sadd.s32 $0x1C000, s8;
	[dreg:$0x8] =	wrdreg s28  }
0xe: {  	v0 =	vlaneseq.u32;
	s4 =	simm.s32 $0x0;
	s0 =	smax.u32 s0, $0x1;
	[dreg:$0x6] =	wrdreg s11  }
0xf: {  	v2 =	vimm.f32 $0.0e+00;
	v1 =	vor.u32 s1, v0;
	s11 =	sadd.s32 s6, s25;
	[dreg:$0x7] =	wrdreg s0;
	s0 =	simm.s32 $0x2100  }
.LBB2_21:
0x10: {  	s4 =	rddreg [dreg:$0x9]  }
0x11: {  	s1 =	rddreg [dreg:$0x7];
	s4 =	sadd.s32 $0x1, s4  }
0x12: {  	p0 =	sne.s32 s4, s1  }
.Ltmp1:
0x13: {  	_ = 	snop;
	(pc) =	sbr.rel @!p0 .LBB2_22-.Ltmp1, $1  }
0x14: {  	_ =	sdelay $0x3  }
.LBB2_1:
0x15: {  	[dreg:$0x9] =	wrdreg s4;
	s1 =	simm.s32 $0x0  }
.LBB2_2:
0x16: {  	p0 =	sne.s32 s1, $0x1FC0  }
.Ltmp2:
0x17: {  	_ = 	snop;
	(pc) =	sbr.rel @p0 .LBB2_2-.Ltmp2, $3  }
0x18: {  	_ =	sdelay $0x1  }
0x19: {  	s4 =	sshra.s32 s1, $0x2  }
0x1a: {  	s1 =	sadd.s32 $0x40, s1;
	[tilespmem:s4+$0x2200] =	vst v2  }
.Ltmp3:
0x1b: {  	(pc) =	sbr.rel .LBB2_4-.Ltmp3, $2  }
0x1c: {  	_ =	sdelay $0x2  }
0x1d: {  	s28 =	simm.s32 $0x0  }
.LBB2_19:
0x1e: {  	s5 =	sshrl.u32 s1, $0x1F  }
0x1f: {  	s5 =	sadd.s32 s5, s1  }
0x20: {  	s5 =	sand.u32 $0xFFFFFFFE, s5  }
0x21: {  	s5 =	ssub.s32 s1, s5  }
0x22: {  	p0 =	sgt.s32 s4, $0x0;
	p1 =	seq.s32 s5, $0x0  }
0x23: {  	p0 =	por !p0, !p1  }
0x24: {  	p0 =	por !p0, !p0  }
0x25: {  	p1 =	sgt.s32 @!p0 s4, $0x0;
	p2 =	seq.s32 @!p0 s5, $0x1  }
0x26: {  	p1 =	por @!p0 !p1, !p2  }
0x27: {  	p1 =	por @!p0 !p1, !p1  }
0x28: {  	p3 =	por !p1, p0  }
0x29: {  	v3 =	vlaneseq.u32 @!p3  }
0x2a: {  	s9 =	sadd.s32 @!p3 $0x10, s4;
	v4 =	vadd.s32 @!p3 s4, v3  }
0x2b: {  	v5 =	vadd.s32 @!p3 s9, v3;
	s9 =	sadd.s32 @!p3 $0x20, s4;
	vm0 =	vlt.s32 @!p3 v4, $0x80  }
0x2c: {  	vm1 =	vlt.s32 @!p3 v5, $0x80;
	v6 =	vadd.s32 @!p3 s9, v3;
	s9 =	sadd.s32 @!p3 $0x30, s4  }
0x2d: {  	vm2 =	vlt.s32 @!p3 v6, $0x80;
	v7 =	vadd.s32 @!p3 s9, v3;
	s9 =	sadd.s32 @!p3 $0x40, s4  }
0x2e: {  	vm3 =	vlt.s32 @!p3 v7, $0x80;
	v8 =	vadd.s32 @!p3 s9, v3;
	s9 =	sadd.s32 @!p3 $0x50, s4  }
0x2f: {  	vm4 =	vlt.s32 @!p3 v8, $0x80;
	v9 =	vadd.s32 @!p3 s9, v3;
	s9 =	sadd.s32 @!p3 $0x60, s4  }
0x30: {  	s10 =	simm.s32 @!p3 $0x2080;
	vm5 =	vlt.s32 @!p3 v9, $0x80;
	v10 =	vadd.s32 @!p3 s9, v3;
	s9 =	sadd.s32 @!p3 $0x70, s4  }
0x31: {  	v3 =	vadd.s32 @!p3 s9, v3;
	[tilespmem:v4+s10+$0x0] =	vst.idx.msk @!p3 vm0, v1;
	vm0 =	vlt.s32 @!p3 v10, $0x80  }
0x32: {  	[tilespmem:v5+s10+$0x0] =	vst.idx.msk @!p3 vm1, v1;
	vm1 =	vlt.s32 @!p3 v3, $0x80  }
0x33: {  	[tilespmem:v6+s10+$0x0] =	vst.idx.msk @!p3 vm2, v1  }
0x34: {  	[tilespmem:v7+s10+$0x0] =	vst.idx.msk @!p3 vm3, v1  }
0x35: {  	[tilespmem:v8+s10+$0x0] =	vst.idx.msk @!p3 vm4, v1  }
0x36: {  	[tilespmem:v9+s10+$0x0] =	vst.idx.msk @!p3 vm5, v1  }
0x37: {  	[tilespmem:v10+s10+$0x0] =	vst.idx.msk @!p3 vm0, v1  }
0x38: {  	s17 =	simm.s32 @!p3 $0x2180;
	p4 =	por @!p3 $0x1, $0x1;
	s9 =	simm.s32 @!p3 $0x80;
	[tilespmem:v3+s10+$0x0] =	vst.idx.msk @!p3 vm1, v1  }
0x39: {  	v3 =	vlaneseq.u32 @p0;
	[spmem:s2] =	stream.indirect.scatter.add.f32 @!p3 [tilespmem:s17], [sflag:$0x4], $0x1, s10, s9, $0xb8;
	[tilespmem:$0x1EA10] =	vst v63  }
0x3a: {  	p2 =	por @!p3 p4, p4;
	p3 =	slt.s32 @!p0 s1, $0x1;
	v4 =	vadd.s32 @p0 s4, v3;
	s9 =	sadd.s32 @p0 $0x10, s4  }
0x3b: {  	p2 =	por @!p0 !p2, p3;
	vm0 =	vlt.s32 @p0 v4, $0x80;
	v5 =	vadd.s32 @p0 s9, v3;
	s9 =	sadd.s32 @p0 $0x20, s4  }
0x3c: {  	p4 =	por p2, p0;
	vm1 =	vlt.s32 @p0 v5, $0x80;
	v6 =	vadd.s32 @p0 s9, v3;
	s9 =	sadd.s32 @p0 $0x30, s4  }
0x3d: {  	s10 =	simm.s32 @!p4 $0x3;
	vm2 =	vlt.s32 @p0 v6, $0x80;
	v7 =	vadd.s32 @p0 s9, v3;
	s9 =	sadd.s32 @p0 $0x40, s4  }
0x3e: {  	_ =	swait.ge @!p4 [sflag:s10], $0x80;
	vm3 =	vlt.s32 @p0 v7, $0x80;
	v8 =	vadd.s32 @p0 s9, v3;
	s9 =	sadd.s32 @p0 $0x50, s4  }
0x3f: {  	[sflag:s10] =	ssyncset.done @!p4 $0x0;
	vm4 =	vlt.s32 @p0 v8, $0x80;
	v9 =	vadd.s32 @p0 s9, v3;
	s9 =	sadd.s32 @p0 $0x60, s4  }
0x40: {  	s4 =	sadd.s32 @p0 $0x70, s4;
	[sflag:s10] =	ssyncadd.s32 @!p4 $0xFFFFFF80;
	s10 =	simm.s32 @p0 $0x2000;
	vm5 =	vlt.s32 @p0 v9, $0x80;
	v10 =	vadd.s32 @p0 s9, v3  }
0x41: {  	v3 =	vadd.s32 @p0 s4, v3;
	[tilespmem:v4+s10+$0x0] =	vst.idx.msk @p0 vm0, v1;
	vm0 =	vlt.s32 @p0 v10, $0x80  }
0x42: {  	p5 =	sgt.s32 @!p0 s1, $0x0;
	p2 =	por !p2, p0;
	p4 =	por @!p4 $0x1, $0x1;
	[tilespmem:v5+s10+$0x0] =	vst.idx.msk @p0 vm1, v1;
	vm1 =	vlt.s32 @p0 v3, $0x80  }
0x43: {  	p4 =	por @!p2 p5, p5;
	p2 =	por !p3, p0;
	[tilespmem:v6+s10+$0x0] =	vst.idx.msk @p0 vm2, v1  }
0x44: {  	p4 =	por @!p2 p5, p5;
	p2 =	sgt.s32 @p0 s1, $0x0;
	[tilespmem:v7+s10+$0x0] =	vst.idx.msk @p0 vm3, v1  }
0x45: {  	p2 =	por @!p0 p4, p4;
	[tilespmem:v8+s10+$0x0] =	vst.idx.msk @p0 vm4, v1  }
0x46: {  	p3 =	sne.s32 @p2 s5, $0x0;
	[tilespmem:v9+s10+$0x0] =	vst.idx.msk @p0 vm5, v1  }
0x47: {  	p2 =	por p3, !p2;
	[tilespmem:v10+s10+$0x0] =	vst.idx.msk @p0 vm0, v1  }
0x48: {  	s4 =	simm.s32 @p0 $0x80;
	s9 =	simm.s32 @p0 $0x2100;
	s1 =	simm.s32 @!p2 $0x4;
	[tilespmem:v3+s10+$0x0] =	vst.idx.msk @p0 vm1, v1  }
0x49: {  	[spmem:s2] =	stream.indirect.scatter.add.f32 @p0 [tilespmem:s9], [sflag:$0x3], $0x1, s10, s4, $0xb8;
	[tilespmem:$0x1EA10] =	vst v63  }
0x4a: {  	_ =	swait.ge @!p2 [sflag:s1], $0x80  }
0x4b: {  	[sflag:s1] =	ssyncset.done @!p2 $0x0  }
0x4c: {  	[sflag:s1] =	ssyncadd.s32 @!p2 $0xFFFFFF80;
	s1 =	simm.s32 @p0 $0x3  }
0x4d: {  	p2 =	por @p0 $0x0, $0x0;
	_ =	swait.ge @p0 [sflag:s1], $0x80  }
0x4e: {  	p2 =	por @!p0 p1, p1;
	[sflag:s1] =	ssyncset.done @p0 $0x0  }
0x4f: {  	[sflag:s1] =	ssyncadd.s32 @p0 $0xFFFFFF80;
	s1 =	simm.s32 @p2 $0x4  }
0x50: {  	_ =	swait.ge @p2 [sflag:s1], $0x80  }
0x51: {  	[sflag:s1] =	ssyncset.done @p2 $0x0;
	s21 =	rddreg [dreg:$0x5]  }
0x52: {  	s22 =	rddreg [dreg:$0xa];
	[sflag:s1] =	ssyncadd.s32 @p2 $0xFFFFFF80  }
0x53: {  	s24 =	stileid.u32;
	s4 =	sadd.s32 s21, s22;
	[bflag:$0x0] =	sbarrier.arrive $0xFFFF  }
0x54: {  	s23 =	sshrl.u32 s4, $0x3;
	s4 =	sshll.u32 s24, $0x6;
	s25 =	rddreg [dreg:$0x1]  }
0x55: {  	s4 =	sor.u32 $0x1C05, s4;
	s26 =	rddreg [dreg:$0x8];
	s1 =	sadd.s32 s25, s23  }
0x56: {  	[hbm:s1], [sflag:s4] =	dma.local [spmem:s26], $0x3800  }
0x57: {  	_ =	swait.ge [sflag:s16], $0x3800  }
0x58: {  	[sflag:s16] =	ssyncset.done $0x0  }
0x59: {  	[sflag:s16] =	ssyncadd.s32 $0xFFFFC800  }
0x5a: {  	[bflag:$0x0] =	sbarrier.arrive $0xFFFF  }
0x5b: {  	s10 =	rddreg [dreg:$0x4]  }
.LBB2_20:
0x5c: {  	s28 =	sadd.s32 $0x1, s28  }
0x5d: {  	p0 =	sne.s32 s28, $0xB  }
.Ltmp4:
0x5e: {  	_ = 	snop;
	(pc) =	sbr.rel @!p0 .LBB2_21-.Ltmp4, $1  }
0x5f: {  	_ =	sdelay $0x3  }
.LBB2_4:
0x60: {  	s1 =	sshll.u32 s28, $0x1  }
0x61: {  	s4 =	sor.u32 s10, s1  }
0x62: {  	p0 =	sgt.u32 s4, $0x14  }
.Ltmp5:
0x63: {  	_ = 	snop;
	(pc) =	sbr.rel @p0 .LBB2_20-.Ltmp5, $1  }
0x64: {  	_ =	sdelay $0x3  }
0x65: {  	s1 =	sadd.s32 $0x0, s8  }
0x66: {  	[spmem:s1] =	stream.linear.scatter [tilespmem:s15], [sflag:$0x5], $0x800, $0x38;
	[tilespmem:$0x1EA10] =	vst v63  }
0x67: {  	s1 =	simm.s32 $0x2000;
	_ =	swait.ge [sflag:s16], $0x800  }
.LBB2_6:
0x68: {  	s5 =	sshra.s32 s1, $0x2;
	[sflag:s16] =	ssyncset.done $0x0;
	p0 =	sne.s32 s1, $0x6E000  }
.Ltmp6:
0x69: {  	s5 =	sadd.s32 s5, s8;
	[sflag:s16] =	ssyncadd.s32 $0xFFFFF800;
	(pc) =	sbr.rel @p0 .LBB2_6-.Ltmp6, $3  }
0x6a: {  	[spmem:s5] =	stream.linear.scatter [tilespmem:s15], [sflag:$0x5], $0x800, $0x38;
	[tilespmem:$0x1EA10] =	vst v63  }
0x6b: {  	s1 =	sadd.s32 $0x2000, s1;
	_ =	sdelay $0x1  }
0x6c: {  	_ =	swait.ge [sflag:s16], $0x800  }
0x6d: {  	[sflag:s16] =	ssyncset.done $0x0  }
0x6e: {  	s1 =	rddreg [dreg:$0x6];
	[sflag:s16] =	ssyncadd.s32 $0xFFFFF800  }
0x6f: {  	[spmem:s1] =	stream.linear.scatter [tilespmem:s15], [sflag:$0x5], $0x10, $0x38;
	[tilespmem:$0x1EA10] =	vst v63  }
0x70: {  	_ =	swait.ge [sflag:s16], $0x10  }
0x71: {  	[sflag:s16] =	ssyncset.done $0x0  }
0x72: {  	[sflag:s16] =	ssyncadd.s32 $0xFFFFFFF0  }
0x73: {  	s1 =	simm.s32 $0x0;
	[bflag:$0x0] =	sbarrier.arrive $0xFFFF  }
0x74: {  	[tilespmem:s1], [sflag:$0x1] =	stream.linear.gather [hbm4b:s11+s1], $0x80, $0x38;
	[tilespmem:$0x1EA10] =	vst v63  }
0x75: {  	s5 =	sadd.s32 $0x10, s11;
	s9 =	simm.s32 $0x100  }
0x76: {  	[tilespmem:s9], [sflag:$0x1] =	stream.linear.gather [hbm4b:s5+s1], $0x80, $0x38;
	[tilespmem:$0x1EA10] =	vst v63  }
0x77: {  	s10 =	simm.s32 $0x200;
	s9 =	sadd.s32 $0x20, s11  }
0x78: {  	[tilespmem:s10], [sflag:$0x1] =	stream.linear.gather [hbm4b:s9+s1], $0x80, $0x38;
	[tilespmem:$0x1EA10] =	vst v63  }
0x79: {  	s17 =	sadd.s32 $0x30, s11;
	s18 =	simm.s32 $0x300  }
0x7a: {  	[tilespmem:s18], [sflag:$0x1] =	stream.linear.gather [hbm4b:s17+s1], $0x80, $0x38;
	[tilespmem:$0x1EA10] =	vst v63  }
0x7b: {  	s19 =	sadd.s32 $0x40, s11;
	s20 =	simm.s32 $0x400  }
0x7c: {  	[tilespmem:s20], [sflag:$0x1] =	stream.linear.gather [hbm4b:s19+s1], $0x80, $0x38;
	[tilespmem:$0x1EA10] =	vst v63  }
0x7d: {  	s21 =	sadd.s32 $0x50, s11;
	s22 =	simm.s32 $0x500  }
0x7e: {  	[tilespmem:s22], [sflag:$0x1] =	stream.linear.gather [hbm4b:s21+s1], $0x80, $0x38;
	[tilespmem:$0x1EA10] =	vst v63  }
0x7f: {  	s23 =	sadd.s32 $0x60, s11;
	s24 =	simm.s32 $0x600  }
0x80: {  	[tilespmem:s24], [sflag:$0x1] =	stream.linear.gather [hbm4b:s23+s1], $0x80, $0x38;
	[tilespmem:$0x1EA10] =	vst v63  }
0x81: {  	s25 =	sadd.s32 $0x70, s11;
	s26 =	simm.s32 $0x700  }
0x82: {  	[tilespmem:s26], [sflag:$0x1] =	stream.linear.gather [hbm4b:s25+s1], $0x80, $0x38;
	[tilespmem:$0x1EA10] =	vst v63  }
0x83: {  	s9 =	sadd.s32 $0x80, s11;
	s10 =	simm.s32 $0x800  }
0x84: {  	[tilespmem:s10], [sflag:$0x1] =	stream.linear.gather [hbm4b:s9+s1], $0x80, $0x38;
	[tilespmem:$0x1EA10] =	vst v63  }
0x85: {  	s17 =	sadd.s32 $0x90, s11;
	s18 =	simm.s32 $0x900  }
0x86: {  	[tilespmem:s18], [sflag:$0x1] =	stream.linear.gather [hbm4b:s17+s1], $0x80, $0x38;
	[tilespmem:$0x1EA10] =	vst v63  }
0x87: {  	s19 =	sadd.s32 $0xA0, s11;
	s20 =	simm.s32 $0xA00  }
0x88: {  	[tilespmem:s20], [sflag:$0x1] =	stream.linear.gather [hbm4b:s19+s1], $0x80, $0x38;
	[tilespmem:$0x1EA10] =	vst v63  }
0x89: {  	s21 =	sadd.s32 $0xB0, s11;
	s22 =	simm.s32 $0xB00  }
0x8a: {  	[tilespmem:s22], [sflag:$0x1] =	stream.linear.gather [hbm4b:s21+s1], $0x80, $0x38;
	[tilespmem:$0x1EA10] =	vst v63  }
0x8b: {  	s23 =	sadd.s32 $0xC0, s11;
	s24 =	simm.s32 $0xC00  }
0x8c: {  	[tilespmem:s24], [sflag:$0x1] =	stream.linear.gather [hbm4b:s23+s1], $0x80, $0x38;
	[tilespmem:$0x1EA10] =	vst v63  }
0x8d: {  	s25 =	sadd.s32 $0xD0, s11;
	s26 =	simm.s32 $0xD00  }
0x8e: {  	[tilespmem:s26], [sflag:$0x1] =	stream.linear.gather [hbm4b:s25+s1], $0x80, $0x38;
	[tilespmem:$0x1EA10] =	vst v63  }
0x8f: {  	s10 =	sadd.s32 $0xE0, s11;
	s17 =	simm.s32 $0xE00  }
0x90: {  	[tilespmem:s17], [sflag:$0x1] =	stream.linear.gather [hbm4b:s10+s1], $0x80, $0x38;
	[tilespmem:$0x1EA10] =	vst v63  }
0x91: {  	s18 =	sadd.s32 $0xF0, s11;
	s19 =	simm.s32 $0xF00  }
0x92: {  	[tilespmem:s19], [sflag:$0x1] =	stream.linear.gather [hbm4b:s18+s1], $0x80, $0x38;
	[tilespmem:$0x1EA10] =	vst v63  }
0x93: {  	s20 =	simm.s32 $0x1000  }
0x94: {  	[tilespmem:s20], [sflag:$0x1] =	stream.linear.gather [hbm4b:s12+s1], $0x80, $0x38;
	[tilespmem:$0x1EA10] =	vst v63  }
0x95: {  	s21 =	sadd.s32 $0x10, s12;
	s22 =	simm.s32 $0x1100  }
0x96: {  	[tilespmem:s22], [sflag:$0x1] =	stream.linear.gather [hbm4b:s21+s1], $0x80, $0x38;
	[tilespmem:$0x1EA10] =	vst v63  }
0x97: {  	s23 =	sadd.s32 $0x20, s12;
	s24 =	simm.s32 $0x1200  }
0x98: {  	[tilespmem:s24], [sflag:$0x1] =	stream.linear.gather [hbm4b:s23+s1], $0x80, $0x38;
	[tilespmem:$0x1EA10] =	vst v63  }
0x99: {  	s25 =	sadd.s32 $0x30, s12;
	s26 =	simm.s32 $0x1300  }
0x9a: {  	[tilespmem:s26], [sflag:$0x1] =	stream.linear.gather [hbm4b:s25+s1], $0x80, $0x38;
	[tilespmem:$0x1EA10] =	vst v63  }
0x9b: {  	s9 =	sadd.s32 $0x40, s12;
	s10 =	simm.s32 $0x1400  }
0x9c: {  	[tilespmem:s10], [sflag:$0x1] =	stream.linear.gather [hbm4b:s9+s1], $0x80, $0x38;
	[tilespmem:$0x1EA10] =	vst v63  }
0x9d: {  	s17 =	sadd.s32 $0x50, s12;
	s18 =	simm.s32 $0x1500  }
0x9e: {  	[tilespmem:s18], [sflag:$0x1] =	stream.linear.gather [hbm4b:s17+s1], $0x80, $0x38;
	[tilespmem:$0x1EA10] =	vst v63  }
0x9f: {  	s19 =	sadd.s32 $0x60, s12;
	s20 =	simm.s32 $0x1600  }
0xa0: {  	[tilespmem:s20], [sflag:$0x1] =	stream.linear.gather [hbm4b:s19+s1], $0x80, $0x38;
	[tilespmem:$0x1EA10] =	vst v63  }
0xa1: {  	s21 =	sadd.s32 $0x70, s12;
	s22 =	simm.s32 $0x1700  }
0xa2: {  	[tilespmem:s22], [sflag:$0x1] =	stream.linear.gather [hbm4b:s21+s1], $0x80, $0x38;
	[tilespmem:$0x1EA10] =	vst v63  }
0xa3: {  	s23 =	sadd.s32 $0x80, s12;
	s24 =	simm.s32 $0x1800  }
0xa4: {  	[tilespmem:s24], [sflag:$0x1] =	stream.linear.gather [hbm4b:s23+s1], $0x80, $0x38;
	[tilespmem:$0x1EA10] =	vst v63  }
0xa5: {  	s25 =	sadd.s32 $0x90, s12;
	s26 =	simm.s32 $0x1900  }
0xa6: {  	[tilespmem:s26], [sflag:$0x1] =	stream.linear.gather [hbm4b:s25+s1], $0x80, $0x38;
	[tilespmem:$0x1EA10] =	vst v63  }
0xa7: {  	s9 =	sadd.s32 $0xA0, s12;
	s10 =	simm.s32 $0x1A00  }
0xa8: {  	[tilespmem:s10], [sflag:$0x1] =	stream.linear.gather [hbm4b:s9+s1], $0x80, $0x38;
	[tilespmem:$0x1EA10] =	vst v63  }
0xa9: {  	s17 =	sadd.s32 $0xB0, s12;
	s18 =	simm.s32 $0x1B00  }
0xaa: {  	[tilespmem:s18], [sflag:$0x1] =	stream.linear.gather [hbm4b:s17+s1], $0x80, $0x38;
	[tilespmem:$0x1EA10] =	vst v63  }
0xab: {  	s19 =	sadd.s32 $0xC0, s12;
	s20 =	simm.s32 $0x1C00  }
0xac: {  	[tilespmem:s20], [sflag:$0x1] =	stream.linear.gather [hbm4b:s19+s1], $0x80, $0x38;
	[tilespmem:$0x1EA10] =	vst v63  }
0xad: {  	s4 =	smul.u32 $0x1C0000, s4;
	s21 =	sadd.s32 $0xD0, s12;
	s22 =	simm.s32 $0x1D00  }
0xae: {  	[tilespmem:s22], [sflag:$0x1] =	stream.linear.gather [hbm4b:s21+s1], $0x80, $0x38;
	[tilespmem:$0x1EA10] =	vst v63  }
.Ltmp7:
0xaf: {  	[dreg:$0xa] =	wrdreg s4;
	(pc) =	sbr.rel .LBB2_8-.Ltmp7, $4  }
0xb0: {  	v3 =	vmov s4;
	s4 =	simm.s32 $0x0;
	s23 =	sadd.s32 $0xE0, s12;
	s24 =	simm.s32 $0x1E00  }
0xb1: {  	[tilespmem:s24], [sflag:$0x1] =	stream.linear.gather [hbm4b:s23+s1], $0x80, $0x38;
	[tilespmem:$0x1EA10] =	vst v63  }
0xb2: {  	s25 =	sadd.s32 $0xF0, s12;
	s26 =	simm.s32 $0x1F00;
	s9 =	simm.s32 $0x0  }
0xb3: {  	[tilespmem:s26], [sflag:$0x1] =	stream.linear.gather [hbm4b:s25+s1], $0x80, $0x38;
	[tilespmem:$0x1EA10] =	vst v63  }
.LBB2_18:
0xb4: {  	s9 =	sadd.s32 $0x1, s9  }
0xb5: {  	p0 =	sne.s32 s9, $0x126  }
.Ltmp8:
0xb6: {  	_ = 	snop;
	(pc) =	sbr.rel @!p0 .LBB2_19-.Ltmp8, $1  }
0xb7: {  	_ =	sdelay $0x3  }
.LBB2_8:
0xb8: {  	s5 =	sand.u32 $0x1, s9  }
0xb9: {  	p0 =	seq.s32 s5, $0x1  }
.Ltmp9:
0xba: {  	_ = 	snop;
	(pc) =	sbr.rel @!p0 .LBB2_9-.Ltmp9, $1  }
0xbb: {  	_ =	sdelay $0x3  }
0xbc: {  	_ =	swait.ge [sflag:s29], $0x800;
	p0 =	seq.s32 s9, $0x125  }
.Ltmp10:
0xbd: {  	[sflag:s29] =	ssyncset.done $0x0;
	(pc) =	sbr.rel @p0 .LBB2_12-.Ltmp10, $4  }
0xbe: {  	[sflag:s29] =	ssyncadd.s32 $0xFFFFF800  }
0xbf: {  	_ =	swait.ge [sflag:s29], $0x800  }
0xc0: {  	[sflag:s29] =	ssyncset.done $0x0  }
0xc1: {  	[sflag:s29] =	ssyncadd.s32 $0xFFFFF800  }
0xc2: {  	s5 =	sshll.u32 s9, $0xB  }
0xc3: {  	s5 =	sadd.s32 s5, s13  }
0xc4: {  	s5 =	sshrl.u32 s5, $0x3  }
0xc5: {  	s10 =	sadd.s32 s6, s5  }
0xc6: {  	[tilespmem:s3], [sflag:$0x1] =	stream.linear.gather [hbm4b:s10+s3], $0x80, $0x38;
	[tilespmem:$0x1EA10] =	vst v63  }
0xc7: {  	s18 =	simm.s32 $0x100;
	s17 =	sadd.s32 $0x10, s10  }
0xc8: {  	[tilespmem:s18], [sflag:$0x1] =	stream.linear.gather [hbm4b:s17+s3], $0x80, $0x38;
	[tilespmem:$0x1EA10] =	vst v63  }
0xc9: {  	s24 =	simm.s32 $0x200;
	s23 =	sadd.s32 $0x20, s10  }
0xca: {  	[tilespmem:s24], [sflag:$0x1] =	stream.linear.gather [hbm4b:s23+s3], $0x80, $0x38;
	[tilespmem:$0x1EA10] =	vst v63  }
0xcb: {  	s26 =	simm.s32 $0x300;
	s25 =	sadd.s32 $0x30, s10  }
0xcc: {  	[tilespmem:s26], [sflag:$0x1] =	stream.linear.gather [hbm4b:s25+s3], $0x80, $0x38;
	[tilespmem:$0x1EA10] =	vst v63  }
0xcd: {  	s20 =	simm.s32 $0x400;
	s19 =	sadd.s32 $0x40, s10  }
0xce: {  	[tilespmem:s20], [sflag:$0x1] =	stream.linear.gather [hbm4b:s19+s3], $0x80, $0x38;
	[tilespmem:$0x1EA10] =	vst v63  }
0xcf: {  	s22 =	simm.s32 $0x500;
	s21 =	sadd.s32 $0x50, s10  }
0xd0: {  	[tilespmem:s22], [sflag:$0x1] =	stream.linear.gather [hbm4b:s21+s3], $0x80, $0x38;
	[tilespmem:$0x1EA10] =	vst v63  }
0xd1: {  	s23 =	sadd.s32 $0x60, s10;
	s24 =	simm.s32 $0x600  }
0xd2: {  	[tilespmem:s24], [sflag:$0x1] =	stream.linear.gather [hbm4b:s23+s3], $0x80, $0x38;
	[tilespmem:$0x1EA10] =	vst v63  }
0xd3: {  	s25 =	sadd.s32 $0x70, s10;
	s26 =	simm.s32 $0x700  }
0xd4: {  	[tilespmem:s26], [sflag:$0x1] =	stream.linear.gather [hbm4b:s25+s3], $0x80, $0x38;
	[tilespmem:$0x1EA10] =	vst v63  }
0xd5: {  	s19 =	sadd.s32 $0x80, s10;
	s20 =	simm.s32 $0x800  }
0xd6: {  	[tilespmem:s20], [sflag:$0x1] =	stream.linear.gather [hbm4b:s19+s3], $0x80, $0x38;
	[tilespmem:$0x1EA10] =	vst v63  }
0xd7: {  	s21 =	sadd.s32 $0x90, s10;
	s22 =	simm.s32 $0x900  }
0xd8: {  	[tilespmem:s22], [sflag:$0x1] =	stream.linear.gather [hbm4b:s21+s3], $0x80, $0x38;
	[tilespmem:$0x1EA10] =	vst v63  }
0xd9: {  	s23 =	sadd.s32 $0xA0, s10;
	s24 =	simm.s32 $0xA00  }
0xda: {  	[tilespmem:s24], [sflag:$0x1] =	stream.linear.gather [hbm4b:s23+s3], $0x80, $0x38;
	[tilespmem:$0x1EA10] =	vst v63  }
0xdb: {  	s25 =	sadd.s32 $0xB0, s10;
	s26 =	simm.s32 $0xB00  }
0xdc: {  	[tilespmem:s26], [sflag:$0x1] =	stream.linear.gather [hbm4b:s25+s3], $0x80, $0x38;
	[tilespmem:$0x1EA10] =	vst v63  }
0xdd: {  	s19 =	sadd.s32 $0xC0, s10;
	s20 =	simm.s32 $0xC00  }
0xde: {  	[tilespmem:s20], [sflag:$0x1] =	stream.linear.gather [hbm4b:s19+s3], $0x80, $0x38;
	[tilespmem:$0x1EA10] =	vst v63  }
0xdf: {  	s21 =	sadd.s32 $0xD0, s10;
	s22 =	simm.s32 $0xD00  }
0xe0: {  	[tilespmem:s22], [sflag:$0x1] =	stream.linear.gather [hbm4b:s21+s3], $0x80, $0x38;
	[tilespmem:$0x1EA10] =	vst v63  }
0xe1: {  	s23 =	sadd.s32 $0xE0, s10;
	s24 =	simm.s32 $0xE00  }
0xe2: {  	[tilespmem:s24], [sflag:$0x1] =	stream.linear.gather [hbm4b:s23+s3], $0x80, $0x38;
	[tilespmem:$0x1EA10] =	vst v63  }
0xe3: {  	s10 =	sadd.s32 $0xF0, s10;
	s25 =	simm.s32 $0xF00  }
0xe4: {  	[tilespmem:s25], [sflag:$0x1] =	stream.linear.gather [hbm4b:s10+s3], $0x80, $0x38;
	[tilespmem:$0x1EA10] =	vst v63  }
0xe5: {  	s5 =	sadd.s32 s7, s5;
	s26 =	simm.s32 $0x1000  }
0xe6: {  	[tilespmem:s26], [sflag:$0x1] =	stream.linear.gather [hbm4b:s5+s3], $0x80, $0x38;
	[tilespmem:$0x1EA10] =	vst v63  }
0xe7: {  	s17 =	sadd.s32 $0x10, s5;
	s18 =	simm.s32 $0x1100  }
0xe8: {  	[tilespmem:s18], [sflag:$0x1] =	stream.linear.gather [hbm4b:s17+s3], $0x80, $0x38;
	[tilespmem:$0x1EA10] =	vst v63  }
0xe9: {  	s19 =	sadd.s32 $0x20, s5;
	s20 =	simm.s32 $0x1200  }
0xea: {  	[tilespmem:s20], [sflag:$0x1] =	stream.linear.gather [hbm4b:s19+s3], $0x80, $0x38;
	[tilespmem:$0x1EA10] =	vst v63  }
0xeb: {  	s21 =	sadd.s32 $0x30, s5;
	s22 =	simm.s32 $0x1300  }
0xec: {  	[tilespmem:s22], [sflag:$0x1] =	stream.linear.gather [hbm4b:s21+s3], $0x80, $0x38;
	[tilespmem:$0x1EA10] =	vst v63  }
0xed: {  	s23 =	sadd.s32 $0x40, s5;
	s24 =	simm.s32 $0x1400  }
0xee: {  	[tilespmem:s24], [sflag:$0x1] =	stream.linear.gather [hbm4b:s23+s3], $0x80, $0x38;
	[tilespmem:$0x1EA10] =	vst v63  }
0xef: {  	s25 =	sadd.s32 $0x50, s5;
	s26 =	simm.s32 $0x1500  }
0xf0: {  	[tilespmem:s26], [sflag:$0x1] =	stream.linear.gather [hbm4b:s25+s3], $0x80, $0x38;
	[tilespmem:$0x1EA10] =	vst v63  }
0xf1: {  	s17 =	sadd.s32 $0x60, s5;
	s18 =	simm.s32 $0x1600  }
0xf2: {  	[tilespmem:s18], [sflag:$0x1] =	stream.linear.gather [hbm4b:s17+s3], $0x80, $0x38;
	[tilespmem:$0x1EA10] =	vst v63  }
0xf3: {  	s19 =	sadd.s32 $0x70, s5;
	s20 =	simm.s32 $0x1700  }
0xf4: {  	[tilespmem:s20], [sflag:$0x1] =	stream.linear.gather [hbm4b:s19+s3], $0x80, $0x38;
	[tilespmem:$0x1EA10] =	vst v63  }
0xf5: {  	s21 =	sadd.s32 $0x80, s5;
	s22 =	simm.s32 $0x1800  }
0xf6: {  	[tilespmem:s22], [sflag:$0x1] =	stream.linear.gather [hbm4b:s21+s3], $0x80, $0x38;
	[tilespmem:$0x1EA10] =	vst v63  }
0xf7: {  	s23 =	sadd.s32 $0x90, s5;
	s24 =	simm.s32 $0x1900  }
0xf8: {  	[tilespmem:s24], [sflag:$0x1] =	stream.linear.gather [hbm4b:s23+s3], $0x80, $0x38;
	[tilespmem:$0x1EA10] =	vst v63  }
0xf9: {  	s25 =	sadd.s32 $0xA0, s5;
	s26 =	simm.s32 $0x1A00  }
0xfa: {  	[tilespmem:s26], [sflag:$0x1] =	stream.linear.gather [hbm4b:s25+s3], $0x80, $0x38;
	[tilespmem:$0x1EA10] =	vst v63  }
0xfb: {  	s18 =	sadd.s32 $0xB0, s5;
	s19 =	simm.s32 $0x1B00  }
0xfc: {  	[tilespmem:s19], [sflag:$0x1] =	stream.linear.gather [hbm4b:s18+s3], $0x80, $0x38;
	[tilespmem:$0x1EA10] =	vst v63  }
0xfd: {  	s20 =	sadd.s32 $0xC0, s5;
	s21 =	simm.s32 $0x1C00  }
0xfe: {  	[tilespmem:s21], [sflag:$0x1] =	stream.linear.gather [hbm4b:s20+s3], $0x80, $0x38;
	[tilespmem:$0x1EA10] =	vst v63  }
0xff: {  	s22 =	sadd.s32 $0xD0, s5;
	s23 =	simm.s32 $0x1D00  }
0x100: {  	[tilespmem:s23], [sflag:$0x1] =	stream.linear.gather [hbm4b:s22+s3], $0x80, $0x38;
	[tilespmem:$0x1EA10] =	vst v63  }
.Ltmp11:
0x101: {  	_ = 	snop;
	(pc) =	sbr.rel .LBB2_12-.Ltmp11, $4  }
0x102: {  	s24 =	sadd.s32 $0xE0, s5;
	s25 =	simm.s32 $0x1E00  }
0x103: {  	[tilespmem:s25], [sflag:$0x1] =	stream.linear.gather [hbm4b:s24+s3], $0x80, $0x38;
	[tilespmem:$0x1EA10] =	vst v63  }
0x104: {  	s5 =	sadd.s32 $0xF0, s5;
	s26 =	simm.s32 $0x1F00  }
0x105: {  	[tilespmem:s26], [sflag:$0x1] =	stream.linear.gather [hbm4b:s5+s3], $0x80, $0x38;
	[tilespmem:$0x1EA10] =	vst v63  }
.LBB2_9:
0x106: {  	_ =	swait.ge [sflag:s14], $0x800  }
0x107: {  	[sflag:s14] =	ssyncset.done $0x0  }
0x108: {  	s5 =	sshll.u32 s9, $0xB;
	[sflag:s14] =	ssyncadd.s32 $0xFFFFF800  }
0x109: {  	s5 =	sadd.s32 s5, s13;
	_ =	swait.ge [sflag:s14], $0x800  }
0x10a: {  	s5 =	sshrl.u32 s5, $0x3;
	[sflag:s14] =	ssyncset.done $0x0  }
0x10b: {  	s10 =	sadd.s32 s6, s5;
	[sflag:s14] =	ssyncadd.s32 $0xFFFFF800  }
0x10c: {  	[tilespmem:s31], [sflag:$0x2] =	stream.linear.gather [hbm4b:s10+s3], $0x80, $0x38;
	[tilespmem:$0x1EA10] =	vst v63  }
0x10d: {  	s18 =	simm.s32 $0x180;
	s17 =	sadd.s32 $0x10, s10  }
0x10e: {  	[tilespmem:s18], [sflag:$0x2] =	stream.linear.gather [hbm4b:s17+s3], $0x80, $0x38;
	[tilespmem:$0x1EA10] =	vst v63  }
0x10f: {  	s24 =	simm.s32 $0x280;
	s23 =	sadd.s32 $0x20, s10  }
0x110: {  	[tilespmem:s24], [sflag:$0x2] =	stream.linear.gather [hbm4b:s23+s3], $0x80, $0x38;
	[tilespmem:$0x1EA10] =	vst v63  }
0x111: {  	s26 =	simm.s32 $0x380;
	s25 =	sadd.s32 $0x30, s10  }
0x112: {  	[tilespmem:s26], [sflag:$0x2] =	stream.linear.gather [hbm4b:s25+s3], $0x80, $0x38;
	[tilespmem:$0x1EA10] =	vst v63  }
0x113: {  	s20 =	simm.s32 $0x480;
	s19 =	sadd.s32 $0x40, s10  }
0x114: {  	[tilespmem:s20], [sflag:$0x2] =	stream.linear.gather [hbm4b:s19+s3], $0x80, $0x38;
	[tilespmem:$0x1EA10] =	vst v63  }
0x115: {  	s22 =	simm.s32 $0x580;
	s21 =	sadd.s32 $0x50, s10  }
0x116: {  	[tilespmem:s22], [sflag:$0x2] =	stream.linear.gather [hbm4b:s21+s3], $0x80, $0x38;
	[tilespmem:$0x1EA10] =	vst v63  }
0x117: {  	s23 =	sadd.s32 $0x60, s10;
	s24 =	simm.s32 $0x680  }
0x118: {  	[tilespmem:s24], [sflag:$0x2] =	stream.linear.gather [hbm4b:s23+s3], $0x80, $0x38;
	[tilespmem:$0x1EA10] =	vst v63  }
0x119: {  	s25 =	sadd.s32 $0x70, s10;
	s26 =	simm.s32 $0x780  }
0x11a: {  	[tilespmem:s26], [sflag:$0x2] =	stream.linear.gather [hbm4b:s25+s3], $0x80, $0x38;
	[tilespmem:$0x1EA10] =	vst v63  }
0x11b: {  	s19 =	sadd.s32 $0x80, s10;
	s20 =	simm.s32 $0x880  }
0x11c: {  	[tilespmem:s20], [sflag:$0x2] =	stream.linear.gather [hbm4b:s19+s3], $0x80, $0x38;
	[tilespmem:$0x1EA10] =	vst v63  }
0x11d: {  	s21 =	sadd.s32 $0x90, s10;
	s22 =	simm.s32 $0x980  }
0x11e: {  	[tilespmem:s22], [sflag:$0x2] =	stream.linear.gather [hbm4b:s21+s3], $0x80, $0x38;
	[tilespmem:$0x1EA10] =	vst v63  }
0x11f: {  	s23 =	sadd.s32 $0xA0, s10;
	s24 =	simm.s32 $0xA80  }
0x120: {  	[tilespmem:s24], [sflag:$0x2] =	stream.linear.gather [hbm4b:s23+s3], $0x80, $0x38;
	[tilespmem:$0x1EA10] =	vst v63  }
0x121: {  	s25 =	sadd.s32 $0xB0, s10;
	s26 =	simm.s32 $0xB80  }
0x122: {  	[tilespmem:s26], [sflag:$0x2] =	stream.linear.gather [hbm4b:s25+s3], $0x80, $0x38;
	[tilespmem:$0x1EA10] =	vst v63  }
0x123: {  	s19 =	sadd.s32 $0xC0, s10;
	s20 =	simm.s32 $0xC80  }
0x124: {  	[tilespmem:s20], [sflag:$0x2] =	stream.linear.gather [hbm4b:s19+s3], $0x80, $0x38;
	[tilespmem:$0x1EA10] =	vst v63  }
0x125: {  	s21 =	sadd.s32 $0xD0, s10;
	s22 =	simm.s32 $0xD80  }
0x126: {  	[tilespmem:s22], [sflag:$0x2] =	stream.linear.gather [hbm4b:s21+s3], $0x80, $0x38;
	[tilespmem:$0x1EA10] =	vst v63  }
0x127: {  	s23 =	sadd.s32 $0xE0, s10;
	s24 =	simm.s32 $0xE80  }
0x128: {  	[tilespmem:s24], [sflag:$0x2] =	stream.linear.gather [hbm4b:s23+s3], $0x80, $0x38;
	[tilespmem:$0x1EA10] =	vst v63  }
0x129: {  	s10 =	sadd.s32 $0xF0, s10;
	s25 =	simm.s32 $0xF80  }
0x12a: {  	[tilespmem:s25], [sflag:$0x2] =	stream.linear.gather [hbm4b:s10+s3], $0x80, $0x38;
	[tilespmem:$0x1EA10] =	vst v63  }
0x12b: {  	s5 =	sadd.s32 s7, s5;
	s26 =	simm.s32 $0x1080  }
0x12c: {  	[tilespmem:s26], [sflag:$0x2] =	stream.linear.gather [hbm4b:s5+s3], $0x80, $0x38;
	[tilespmem:$0x1EA10] =	vst v63  }
0x12d: {  	s17 =	sadd.s32 $0x10, s5;
	s18 =	simm.s32 $0x1180  }
0x12e: {  	[tilespmem:s18], [sflag:$0x2] =	stream.linear.gather [hbm4b:s17+s3], $0x80, $0x38;
	[tilespmem:$0x1EA10] =	vst v63  }
0x12f: {  	s19 =	sadd.s32 $0x20, s5;
	s20 =	simm.s32 $0x1280  }
0x130: {  	[tilespmem:s20], [sflag:$0x2] =	stream.linear.gather [hbm4b:s19+s3], $0x80, $0x38;
	[tilespmem:$0x1EA10] =	vst v63  }
0x131: {  	s21 =	sadd.s32 $0x30, s5;
	s22 =	simm.s32 $0x1380  }
0x132: {  	[tilespmem:s22], [sflag:$0x2] =	stream.linear.gather [hbm4b:s21+s3], $0x80, $0x38;
	[tilespmem:$0x1EA10] =	vst v63  }
0x133: {  	s23 =	sadd.s32 $0x40, s5;
	s24 =	simm.s32 $0x1480  }
0x134: {  	[tilespmem:s24], [sflag:$0x2] =	stream.linear.gather [hbm4b:s23+s3], $0x80, $0x38;
	[tilespmem:$0x1EA10] =	vst v63  }
0x135: {  	s25 =	sadd.s32 $0x50, s5;
	s26 =	simm.s32 $0x1580  }
0x136: {  	[tilespmem:s26], [sflag:$0x2] =	stream.linear.gather [hbm4b:s25+s3], $0x80, $0x38;
	[tilespmem:$0x1EA10] =	vst v63  }
0x137: {  	s17 =	sadd.s32 $0x60, s5;
	s18 =	simm.s32 $0x1680  }
0x138: {  	[tilespmem:s18], [sflag:$0x2] =	stream.linear.gather [hbm4b:s17+s3], $0x80, $0x38;
	[tilespmem:$0x1EA10] =	vst v63  }
0x139: {  	s19 =	sadd.s32 $0x70, s5;
	s20 =	simm.s32 $0x1780  }
0x13a: {  	[tilespmem:s20], [sflag:$0x2] =	stream.linear.gather [hbm4b:s19+s3], $0x80, $0x38;
	[tilespmem:$0x1EA10] =	vst v63  }
0x13b: {  	s21 =	sadd.s32 $0x80, s5;
	s22 =	simm.s32 $0x1880  }
0x13c: {  	[tilespmem:s22], [sflag:$0x2] =	stream.linear.gather [hbm4b:s21+s3], $0x80, $0x38;
	[tilespmem:$0x1EA10] =	vst v63  }
0x13d: {  	s23 =	sadd.s32 $0x90, s5;
	s24 =	simm.s32 $0x1980  }
0x13e: {  	[tilespmem:s24], [sflag:$0x2] =	stream.linear.gather [hbm4b:s23+s3], $0x80, $0x38;
	[tilespmem:$0x1EA10] =	vst v63  }
0x13f: {  	s25 =	sadd.s32 $0xA0, s5;
	s26 =	simm.s32 $0x1A80  }
0x140: {  	[tilespmem:s26], [sflag:$0x2] =	stream.linear.gather [hbm4b:s25+s3], $0x80, $0x38;
	[tilespmem:$0x1EA10] =	vst v63  }
0x141: {  	s18 =	sadd.s32 $0xB0, s5;
	s19 =	simm.s32 $0x1B80  }
0x142: {  	[tilespmem:s19], [sflag:$0x2] =	stream.linear.gather [hbm4b:s18+s3], $0x80, $0x38;
	[tilespmem:$0x1EA10] =	vst v63  }
0x143: {  	s20 =	sadd.s32 $0xC0, s5;
	s21 =	simm.s32 $0x1C80  }
0x144: {  	[tilespmem:s21], [sflag:$0x2] =	stream.linear.gather [hbm4b:s20+s3], $0x80, $0x38;
	[tilespmem:$0x1EA10] =	vst v63  }
0x145: {  	s22 =	sadd.s32 $0xD0, s5;
	s23 =	simm.s32 $0x1D80  }
0x146: {  	[tilespmem:s23], [sflag:$0x2] =	stream.linear.gather [hbm4b:s22+s3], $0x80, $0x38;
	[tilespmem:$0x1EA10] =	vst v63  }
0x147: {  	s24 =	sadd.s32 $0xE0, s5;
	s25 =	simm.s32 $0x1E80  }
0x148: {  	[tilespmem:s25], [sflag:$0x2] =	stream.linear.gather [hbm4b:s24+s3], $0x80, $0x38;
	[tilespmem:$0x1EA10] =	vst v63  }
0x149: {  	s5 =	sadd.s32 $0xF0, s5;
	s26 =	simm.s32 $0x1F80  }
0x14a: {  	[tilespmem:s26], [sflag:$0x2] =	stream.linear.gather [hbm4b:s5+s3], $0x80, $0x38;
	[tilespmem:$0x1EA10] =	vst v63  }
.LBB2_12:
.Ltmp12:
0x14b: {  	(pc) =	sbr.rel .LBB2_13-.Ltmp12, $4  }
0x14c: {  	_ = 	snop  }
0x14d: {  	s5 =	sshll.u32 s9, $0x7  }
0x14e: {  	s18 =	simm.s32 $0x0;
	s19 =	simm.s32 $0x0;
	s10 =	sand.u32 $0x80, s5  }
0x14f: {  	s24 =	sor.u32 $0x10, s10;
	s5 =	sor.u32 $0x20, s10;
	s17 =	sor.u32 $0x30, s10  }
.LBB2_15:
0x150: {  	p0 =	sne.s32 s20, $0x1  }
0x151: {  	p1 =	slt.s32 @!p0 s4, $0x40  }
0x152: {  	p0 =	por p0, p1  }
0x153: {  	v4 =	vlaneseq.u32 @!p0  }
0x154: {  	s20 =	sadd.s32 @!p0 $0x10, s4;
	v5 =	vadd.s32 @!p0 s4, v4  }
0x155: {  	v6 =	vadd.s32 @!p0 s20, v4;
	s20 =	sadd.s32 @!p0 $0x20, s4;
	vm0 =	vlt.s32 @!p0 v5, $0x80  }
0x156: {  	vm1 =	vlt.s32 @!p0 v6, $0x80;
	v7 =	vadd.s32 @!p0 s20, v4;
	s20 =	sadd.s32 @!p0 $0x30, s4  }
0x157: {  	vm2 =	vlt.s32 @!p0 v7, $0x80;
	v4 =	vadd.s32 @!p0 s20, v4  }
0x158: {  	vm3 =	vlt.s32 @!p0 v4, $0x80;
	_ =	sdelay $0x1  }
0x159: {  	p1 =	slt.s32 @!p0 s1, $0x1;
	s20 =	simm.s32 @!p0 $0x2080  }
0x15a: {  	p1 =	por p0, p1;
	[tilespmem:v5+s20+$0x0] =	vst.idx.msk @!p0 vm0, v1  }
.Ltmp13:
0x15b: {  	[tilespmem:v6+s20+$0x0] =	vst.idx.msk @!p0 vm1, v1;
	(pc) =	sbr.rel @p1 .LBB2_17-.Ltmp13, $4  }
0x15c: {  	[tilespmem:v7+s20+$0x0] =	vst.idx.msk @!p0 vm2, v1  }
0x15d: {  	s21 =	simm.s32 @!p0 $0x80;
	s22 =	simm.s32 @!p0 $0x2180;
	[tilespmem:v4+s20+$0x0] =	vst.idx.msk @!p0 vm3, v1  }
0x15e: {  	[spmem:s2] =	stream.indirect.scatter.add.f32 @!p0 [tilespmem:s22], [sflag:$0x4], $0x1, s20, s21, $0xb8;
	[tilespmem:$0x1EA10] =	vst v63  }
0x15f: {  	s20 =	simm.s32 @!p0 $0x3  }
.LBB2_16:
0x160: {  	_ =	swait.ge [sflag:s20], $0x80  }
0x161: {  	[sflag:s20] =	ssyncset.done $0x0  }
0x162: {  	[sflag:s20] =	ssyncadd.s32 $0xFFFFFF80  }
.LBB2_17:
0x163: {  	s19 =	sadd.s32 $0x40, s19  }
0x164: {  	p1 =	sne.s32 s19, $0x800  }
.Ltmp14:
0x165: {  	_ = 	snop;
	(pc) =	sbr.rel @!p1 .LBB2_18-.Ltmp14, $4  }
0x166: {  	_ = 	snop  }
0x167: {  	p0 =	sgt.s32 s4, $0x3F;
	s20 =	simm.s32 $0x1  }
0x168: {  	s20 =	simm.s32 @!p0 $0x0  }
0x169: {  	s18 =	sadd.s32 $0x80, s18;
	s4 =	simm.s32 @p0 $0x0;
	s1 =	sadd.s32 s20, s1  }
.LBB2_13:
0x16a: {  	s21 =	sand.u32 $0x40, s19  }
0x16b: {  	s22 =	sand.u32 $0xF00, s18;
	s20 =	sor.u32 s10, s21  }
0x16c: {  	s23 =	sor.u32 s22, s20  }
0x16d: {  	s25 =	sshrl.u32 s1, $0x1F;
	v4 =	vld [tilespmem:s23+$0x0]  }
0x16e: {  	s20 =	sadd.s32 s25, s1  }
0x16f: {  	s20 =	sand.u32 $0xFFFFFFFE, s20  }
0x170: {  	v5 =	vld [tilespmem:s23+$0x1000];
	s20 =	ssub.s32 s1, s20  }
0x171: {  	s23 =	sand.u32 $0xFFFFFF80, s4;
	s25 =	sshll.u32 s20, $0x7  }
0x172: {  	s26 =	sand.u32 $0x7F, s4;
	s23 =	sadd.s32 s23, s25;
	v4 =	vsub.s32 v4, v3  }
0x173: {  	s23 =	sor.u32 s26, s23;
	vm0 =	vlt.u32 v4, $0x1C0000  }
0x174: {  	s26 =	sor.u32 s24, s21;
	[tilespmem:s23+$0x2000] =	vst.msk vm0, v4;
	v4 =	vmpcnt.ones.xlane vm0  }
0x175: {  	[tilespmem:s23+$0x2100] =	vst.msk vm0, v5;
	s23 =	sor.u32 s22, s26  }
0x176: {  	(v2sf) =	vpush v4, $0x0;
	v4 =	vld [tilespmem:s23+$0x0];
	_ =	sdelay $0x4  }
0x177: {  	v4 =	vsub.s32 v4, v3  }
0x178: {  	vm13 =	vlt.u32 v4, $0x1C0000  }
0x179: {  	v5 =	vmpcnt.ones.xlane vm13;
	_ =	sdelay $0x1  }
0x17a: {  	(v2sf) =	vpush v5, $0x0;
	_ =	sdelay $0x5  }
0x17b: {  	s26 =	spop (v2sf)  }
0x17c: {  	v5 =	vld [tilespmem:s23+$0x1000];
	s4 =	sadd.s32 s4, s26  }
0x17d: {  	s23 =	sand.u32 $0xFFFFFF80, s4  }
0x17e: {  	s26 =	sand.u32 $0x7F, s4;
	s23 =	sadd.s32 s25, s23  }
0x17f: {  	s23 =	sor.u32 s26, s23  }
0x180: {  	s26 =	sor.u32 s5, s21;
	[tilespmem:s23+$0x2000] =	vst.msk vm13, v4  }
0x181: {  	[tilespmem:s23+$0x2100] =	vst.msk vm13, v5;
	s23 =	sor.u32 s22, s26  }
0x182: {  	v4 =	vld [tilespmem:s23+$0x0];
	_ =	sdelay $0x1  }
0x183: {  	s26 =	spop (v2sf)  }
0x184: {  	v5 =	vld [tilespmem:s23+$0x1000];
	s4 =	sadd.s32 s4, s26  }
0x185: {  	s23 =	sand.u32 $0xFFFFFF80, s4  }
0x186: {  	s26 =	sand.u32 $0x7F, s4;
	v4 =	vsub.s32 v4, v3;
	s23 =	sadd.s32 s25, s23  }
0x187: {  	vm14 =	vlt.u32 v4, $0x1C0000;
	s23 =	sor.u32 s26, s23  }
0x188: {  	s21 =	sor.u32 s17, s21;
	[tilespmem:s23+$0x2000] =	vst.msk vm14, v4  }
0x189: {  	s21 =	sor.u32 s22, s21;
	[tilespmem:s23+$0x2100] =	vst.msk vm14, v5  }
0x18a: {  	v4 =	vld [tilespmem:s21+$0x0];
	_ =	sdelay $0x4  }
0x18b: {  	v5 =	vmpcnt.ones.xlane vm14;
	v4 =	vsub.s32 v4, v3  }
0x18c: {  	vm15 =	vlt.u32 v4, $0x1C0000  }
0x18d: {  	(v2sf) =	vpush v5, $0x0;
	v5 =	vmpcnt.ones.xlane vm15;
	_ =	sdelay $0x1  }
0x18e: {  	(v2sf) =	vpush v5, $0x0;
	_ =	sdelay $0xd  }
0x18f: {  	s26 =	spop (v2sf)  }
0x190: {  	p0 =	sne.s32 s20, $0x0;
	s4 =	sadd.s32 s4, s26;
	s26 =	spop (v2sf)  }
0x191: {  	s23 =	sand.u32 $0xFFFFFF80, s4;
	s22 =	sand.u32 $0x7F, s4;
	s4 =	sadd.s32 s4, s26  }
0x192: {  	p1 =	slt.s32 @!p0 s4, $0x40  }
0x193: {  	v5 =	vld [tilespmem:s21+$0x1000];
	p0 =	por p0, p1  }
.Ltmp15:
0x194: {  	_ = 	snop;
	(pc) =	sbr.rel @p0 .LBB2_15-.Ltmp15, $4  }
0x195: {  	s21 =	sadd.s32 s25, s23  }
0x196: {  	s21 =	sor.u32 s22, s21  }
0x197: {  	[tilespmem:s21+$0x2000] =	vst.msk vm15, v4  }
0x198: {  	[tilespmem:s21+$0x2100] =	vst.msk vm15, v5  }
0x199: {  	v4 =	vadd.s32 s4, v0;
	s20 =	sadd.s32 $0x10, s4  }
0x19a: {  	s25 =	sadd.s32 $0x20, s4;
	vm0 =	vlt.s32 v4, $0x80;
	v5 =	vadd.s32 s20, v0  }
0x19b: {  	s26 =	sadd.s32 $0x30, s4;
	v6 =	vadd.s32 s25, v0;
	vm1 =	vlt.s32 v5, $0x80  }
0x19c: {  	v7 =	vadd.s32 s26, v0;
	vm2 =	vlt.s32 v6, $0x80  }
0x19d: {  	vm3 =	vlt.s32 v7, $0x80;
	_ =	sdelay $0x1  }
0x19e: {  	p0 =	sgt.s32 s1, $0x0  }
.Ltmp16:
0x19f: {  	[tilespmem:v4+s30+$0x0] =	vst.idx.msk vm0, v1;
	(pc) =	sbr.rel @p0 .LBB2_16-.Ltmp16, $4  }
.Ltmp17:
0x1a0: {  	[tilespmem:v5+s30+$0x0] =	vst.idx.msk vm1, v1;
	(pc) =	sbr.rel @!p0 .LBB2_17-.Ltmp17, $4  }
0x1a1: {  	[tilespmem:v6+s30+$0x0] =	vst.idx.msk vm2, v1  }
0x1a2: {  	s20 =	simm.s32 $0x4;
	[tilespmem:v7+s30+$0x0] =	vst.idx.msk vm3, v1  }
0x1a3: {  	[spmem:s2] =	stream.indirect.scatter.add.f32 [tilespmem:s0], [sflag:$0x3], $0x1, s30, s31, $0xb8;
	[tilespmem:$0x1EA10] =	vst v63  }
0x1a4: {  	_ = 	snop  }
.LBB2_22:
0x1a5: {  	_ =	sfence.sel $0x180000  }
0x1a6: {  	[bflag:$0x0] =	sbarrier.arrive $0xFFFF  }
0x1a7: {  	_ =	strace $0x90000047  }
0x1a8: {  	s0 =	stileid.u32;
	[bflag:$0x2] =	sbarrier.arrive $0xFFFF  }
0x1a9: {  	p0 =	sne.s32 s0, $0x0;
	s0 =	rddreg [dreg:$0x3]  }
0x1aa: {  	s0 =	sadd.s32 @!p0 $0x100000, s0  }
0x1ab: {  	[sflag:s0] =	ssyncadd.tile.s32 @!p0 $0x1;
	_ =	shalt  }
.Lfunc_end2:
_tile_overlayer_lowered:
.L_overlay_start_2:
0x1ac: {  	(tag) =	ssettag $0x2  }
0x1ad: {  	s0 =	rddreg [dreg:$0x0];
	s2 =	stileid.u32  }
0x1ae: {  	s1 =	rddreg [dreg:$0x1];
	p0 =	sne.s32 s2, $0x0  }
0x1af: {  	s3 =	rddreg [dreg:$0x2];
	[bflag:$0x3] =	sbarrier.arrive $0xFFFF;
	s2 =	simm.s32 @!p0 $0x1C05  }
0x1b0: {  	[timem:s3], [sflag:s2] =	dma.local @!p0 [hbm:s0], s1  }
0x1b1: {  	s0 =	simm.s32 @!p0 $0x5  }
0x1b2: {  	_ =	swait.ge @!p0 [sflag:s0], s1  }
0x1b3: {  	s1 =	ssub.s32 @!p0 $0x0, s1;
	[sflag:s0] =	ssyncset.done @!p0 $0x0  }
0x1b4: {  	[sflag:s0] =	ssyncadd.s32 @!p0 s1  }
0x1b5: {  	[bflag:$0x3] =	sbarrier.arrive $0xFFFF  }
0x1b6: {  	_ =	shalt  }

// kernel: sparse-core-data-format-call.cloned.1.call-start
scs
called_computation_lowered:
.L_overlay_start_0:
0x0: {  	s2 =	sld [smem:$0x3FD9]  }
0x1: {  	s3 =	sld [smem:$0x3FFE];
	_ =	sdelay $0x1  }
0x2: {  	s1 =	srdreg.scid  }
0x3: {  	s0 =	sand.u32 $0x1, s1  }
0x4: {  	s18 =	sshll.u32 s0, $0xA;
	s2 =	sadd.s32 s3, s2  }
0x5: {  	s2 =	sadd.s32 s2, s18  }
0x6: {  	[smem:$0x3FC6] =	sst s2  }
0x7: {  	_ = 	snop  }
0x8: {  	s2 =	sld [smem:$0x3FD0];
	(tm) =	ssettm $0x1  }
0x9: {  	s19 =	sld [smem:$0x3FFB];
	_ =	sdelay $0x3  }
0xa: {  	_ =	strace s19  }
0xb: {  	s3 =	sld [smem:$0x3FFC];
	_ =	sdelay $0x3  }
0xc: {  	_ =	strace s3  }
0xd: {  	s3 =	sld [smem:$0x3FFD];
	_ =	sdelay $0x3  }
0xe: {  	_ =	strace s3  }
0xf: {  	_ =	strace $0x8FFFFFFF  }
0x10: {  	s20 =	sld [smem:$0x3FDB];
	_ =	sdelay $0x1  }
0x11: {  	s4 =	simm.s32 $_scs_section_size  }
0x12: {  	s5 =	simm.s32 $_size__tile_overlayer_lowered;
	s6 =	simm.s32 $_tile_overlayer_lowered  }
0x13: {  	s23 =	simm.s32 $0x1BFF;
	s22 =	sshll.u32 s6, $0x1;
	s3 =	sadd.s32 s4, s20  }
0x14: {  	s7 =	simm.s32 $0x0;
	s21 =	sshll.u32 s5, $0x1;
	s5 =	sadd.s32 s22, s3  }
0x15: {  	[timem:s7], [sflag:s23] =	dma.local [hbm:s5], s21  }
0x16: {  	_ =	swait.ge [sflag:s23], s21  }
0x17: {  	s4 =	ssub.s32 $0x0, s21;
	[sflag:s23] =	ssyncset.done $0x0  }
0x18: {  	[sflag:s23] =	ssyncadd.s32 s4;
	_ =	sdelay $0x1  }
0x19: {  	s24 =	simm.s32 $0x1B8B  }
0x1a: {  	_ =	swait.ge [sflag:s24], $0x1  }
0x1b: {  	[sflag:s24] =	ssyncset.done $0x0  }
0x1c: {  	s26 =	simm.s32 $0x1B8E;
	s25 =	sld [smem:$0x3FFE];
	[sflag:s24] =	ssyncadd.s32 $0xFFFFFFFF  }
0x1d: {  	s27 =	simm.s32 $execute0_lowered;
	[smem:$0x3FD2] =	sst s26  }
0x1e: {  	s5 =	sshll.u32 s27, $0x1;
	_ =	strace $0x80000049;
	[dreg:$0x1] =	wrdreg $0xFFFFFFFF  }
0x1f: {  	s28 =	simm.s32 $_size_execute0_lowered;
	s3 =	sadd.s32 s3, s5;
	[dreg:$0x0] =	wrdreg $0x0  }
0x20: {  	s5 =	sshll.u32 s28, $0x1;
	[dreg:$0x2] =	wrdreg s3  }
0x21: {  	[dreg:$0x3] =	wrdreg s5  }
0x22: {  	[dreg:$0x4] =	wrdreg $0xC0  }
0x23: {  	_ =	task [dreg:s7], $0x5FFFF  }
0x24: {  	[dreg:$0x1] =	wrdreg $0xFFFFFFFF  }
0x25: {  	[dreg:$0x0] =	wrdreg $0x60  }
0x26: {  	[dreg:$0x2] =	wrdreg s25  }
0x27: {  	[dreg:$0x3] =	wrdreg s2  }
0x28: {  	[dreg:$0x4] =	wrdreg $0x9  }
0x29: {  	_ =	task.clear_ibuf [dreg:s7], $0x5FFFF;
	_ =	strace $0x90000049  }
0x2a: {  	s29 =	simm.s32 $0x9;
	_ =	strace $0x8000004B  }
0x2b: {  	_ =	swait.ge [sflag:s29], $0x1  }
0x2c: {  	[sflag:s29] =	ssyncadd.s32 $0xFFFFFFFF  }
0x2d: {  	_ =	strace $0x9000004B  }
0x2e: {  	_ =	sfence  }
0x2f: {  	s30 =	sld [smem:$0x0];
	_ =	sdelay $0x2  }
0x30: {  	s31 =	sshll.u32 s1, $0xD;
	s1 =	sshrl.u32 s1, $0x2  }
0x31: {  	s3 =	sand.u32 $0x4000, s31;
	s1 =	sadd.s32 s1, s30  }
0x32: {  	s0 =	sor.u32 s3, s0;
	s1 =	sshll.u32 s1, $0x11  }
0x33: {  	s0 =	sor.u32 s1, s0  }
0x34: {  	s0 =	sadd.s32 $0x8F2B, s0  }
0x35: {  	[sflag:s0] =	ssyncadd.remote.s32 $0x1  }
0x36: {  	_ =	sfence.sel $0xFFFF  }
0x37: {  	[dreg:$0x0] =	wrdreg $0xFFFFFFFF;
	(pc) =	sbr.abs _section_cstart, $3  }
0x38: {  	[dreg:$0x1] =	wrdreg $0xFFFFFFFF  }
0x39: {  	_ =	task.clear_ibuf [dreg:s7], $0x2FFFF;
	_ =	strace $0x9FFFFFFF  }
0x3a: {  	(tm) =	ssettm $0x7FFFFFFF  }
0x3b: {  	_ =	shalt  }
tec
execute0_lowered:
.L_overlay_start_1:
0x0: {  	(tag) =	ssettag $0x1  }
0x1: {  	s0 =	rddreg [dreg:$0x0]  }
0x2: {  	s1 =	srdreg.scid;
	_ =	strace $0x8000004A;
	s2 =	stileid.u32  }
0x3: {  	s30 =	simm.s32 $0x1;
	s31 =	simm.s32 $0x2;
	s15 =	simm.s32 $0x0  }
0x4: {  	s16 =	simm.s32 $0x0;
	s17 =	simm.s32 $0x0;
	s8 =	simm.s32 $0x0  }
0x5: {  	s10 =	simm.s32 $0x0;
	s12 =	simm.s32 $0x0;
	s11 =	simm.s32 $0x0  }
.Ltmp0:
0x6: {  	s9 =	simm.s32 $0x0;
	s29 =	sshll.u32 s1, $0x4;
	(pc) =	sbr.rel .LBB1_1-.Ltmp0, $4  }
0x7: {  	s6 =	sadd.s32 $0x800, s0;
	[sflag:s30] =	ssyncpa.u1 $0x0;
	s0 =	sand.u32 $0x10, s29  }
0x8: {  	s7 =	sand.u32 $0x7, s2;
	[dreg:$0x3] =	wrdreg s6;
	s0 =	sor.u32 s2, s0  }
0x9: {  	[sflag:s31] =	ssyncpa.u1 $0x0;
	[dreg:$0x4] =	wrdreg s7;
	s22 =	sshrl.u32 s0, $0x3  }
0xa: {  	s14 =	smov.u32 s7;
	s13 =	smov.u32 s22;
	[dreg:$0x5] =	wrdreg s22  }
.LBB1_9:
0xb: {  	p0 =	sgt.s32 s8, $0x80;
	s3 =	smul.u32 $0xA8000, s12  }
0xc: {  	s0 =	smov.u32 s8;
	s1 =	sshrl.u32 s8, $0x5;
	s27 =	smul.u32 $0xC00, s10  }
0xd: {  	s4 =	sshrl.u32 s8, $0x3;
	s5 =	rddreg [dreg:$0x1];
	s0 =	simm.s32 @!p0 $0x80  }
0xe: {  	s28 =	sand.u32 $0x7, s8;
	s1 =	sand.u32 $0xFFFFFC, s1;
	s0 =	sadd.s32 s19, s0  }
0xf: {  	s29 =	rddreg [dreg:$0x6];
	s26 =	smulhi.u32 $0x2AAAAAB, s1;
	s2 =	sadd.s32 $0xFFFFFF80, s0  }
0x10: {  	s6 =	rddreg [dreg:$0x3];
	s0 =	ssub.s32 $0x100, s0;
	p0 =	sgt.s32 s2, $0x7F  }
0x11: {  	s7 =	rddreg [dreg:$0x4];
	s2 =	smul.u32 $0x60, s26;
	s0 =	simm.s32 @p0 $0x0  }
0x12: {  	s31 =	simm.s32 $0x800;
	s22 =	rddreg [dreg:$0x5];
	s0 =	smul.u32 s0, s18  }
0x13: {  	s4 =	sand.u32 $0xF, s4;
	s3 =	sadd.s32 s5, s3;
	s1 =	ssub.s32 s1, s2  }
0x14: {  	s2 =	sadd.s32 s27, s3;
	s3 =	sshll.u32 s28, $0x12;
	s0 =	smul.u32 $0x60, s0  }
0x15: {  	s1 =	sshll.u32 s1, $0x5;
	s2 =	sadd.s32 s4, s2;
	s4 =	sor.u32 $0x8000, s29  }
0x16: {  	s30 =	sor.u32 $0x400, s3;
	s1 =	sadd.s32 s1, s2;
	s0 =	sand.u32 $0x3FFFFFE0, s0  }
0x17: {  	[hbm4b:s1+s30] =	stream.strided.scatter [tilespmem:s4], [sflag:$0x2], s0, s31, s30, $0x20;
	[tilespmem:$0x10100] =	vst v63  }
.LBB1_10:
0x18: {  	p0 =	slt.u32 s9, $0x2  }
0x19: {  	p1 =	sgt.s32 @!p0 s17, $0x7  }
0x1a: {  	s0 =	smov.u32 s17;
	s1 =	sshra.s32 @!p0 s17, $0x1F;
	p1 =	por !p1, p0  }
0x1b: {  	s2 =	smov.u32 s16;
	s1 =	sand.u32 @!p0 s1, s17;
	s0 =	simm.s32 @p1 $0x7  }
0x1c: {  	s3 =	sshra.s32 @!p0 s16, $0x1F;
	p1 =	sgt.s32 @!p0 s16, $0xDF;
	s0 =	ssub.s32 @!p0 s0, s1  }
0x1d: {  	s4 =	sshra.s32 @!p0 s15, $0x1F;
	p2 =	por !p1, p0;
	s1 =	sadd.s32 @!p0 $0xFFFFFFF9, s0  }
0x1e: {  	s2 =	simm.s32 @p2 $0xDF;
	p1 =	sgt.s32 @!p0 s1, $0x0;
	s1 =	sand.u32 @!p0 s3, s16  }
0x1f: {  	s0 =	ssub.s32 @!p0 $0x8, s0;
	p2 =	sgt.s32 @!p0 s15, $0x80;
	s1 =	ssub.s32 @!p0 s2, s1  }
0x20: {  	p2 =	por !p2, p0;
	s3 =	smov.u32 s15;
	s2 =	sadd.s32 @!p0 $0xFFFFFF21, s1  }
0x21: {  	s3 =	simm.s32 @p2 $0x80;
	p2 =	sgt.s32 @!p0 s2, $0x0;
	s2 =	sand.u32 @!p0 s4, s15  }
0x22: {  	s0 =	smul.u32 @!p0 $0x60, s0;
	p1 =	por !p1, p0;
	s2 =	ssub.s32 @!p0 s3, s2  }
0x23: {  	s1 =	ssub.s32 @!p0 $0xE0, s1;
	p2 =	por !p2, p0;
	s3 =	sadd.s32 @!p0 $0xFFFFFF80, s2  }
0x24: {  	s0 =	simm.s32 @!p1 $0x0;
	s1 =	simm.s32 @!p2 $0x0;
	p2 =	sgt.s32 @!p0 s3, $0x7F  }
0x25: {  	s2 =	ssub.s32 @!p0 $0x100, s2;
	s0 =	smul.u32 @!p0 s1, s0;
	p1 =	por !p2, p0  }
0x26: {  	s1 =	sadd.s32 $0x80, s11;
	s3 =	smov.u32 s13;
	s2 =	simm.s32 @!p1 $0x0  }
0x27: {  	p1 =	sgt.s32 s1, $0xDF;
	s0 =	smul.u32 @!p0 s2, s0;
	s2 =	sadd.s32 $0x4, s13  }
0x28: {  	s3 =	smov.u32 @p1 s2  }
0x29: {  	s5 =	smov.u32 s14;
	s2 =	sadd.s32 $0x8, s14;
	p2 =	sgt.s32 s3, $0xDF  }
0x2a: {  	s9 =	sadd.s32 $0x1, s9;
	s5 =	smov.u32 @p2 s2  }
0x2b: {  	s17 =	smov.u32 s12;
	s1 =	simm.s32 @p1 $0x0;
	p1 =	sgt.s32 s5, $0x7  }
0x2c: {  	s12 =	smov.u32 s14;
	s5 =	smov.u32 @p1 s7;
	p1 =	sne.s32 s9, $0x72  }
.Ltmp1:
0x2d: {  	s16 =	smov.u32 s10;
	s10 =	smov.u32 s13;
	(pc) =	sbr.rel @!p1 .LBB1_11-.Ltmp1, $4  }
0x2e: {  	s4 =	simm.s32 @!p0 $0x2;
	s15 =	smov.u32 s8;
	s0 =	sand.u32 @!p0 $0x3FFFFFE0, s0  }
0x2f: {  	s8 =	smov.u32 s11;
	s11 =	smov.u32 s1;
	_ =	swait.ge @!p0 [sflag:s4], s0  }
0x30: {  	s0 =	ssub.s32 @!p0 $0x0, s0;
	s3 =	smov.u32 @p2 s22;
	[sflag:s4] =	ssyncset.done @!p0 $0x0  }
0x31: {  	s13 =	smov.u32 s3;
	[sflag:s4] =	ssyncadd.s32 @!p0 s0;
	s14 =	smov.u32 s5  }
.LBB1_1:
0x32: {  	p0 =	sgt.u32 s9, $0x6F;
	s18 =	smov.u32 s14  }
0x33: {  	s0 =	sand.u32 @!p0 $0x1FFFFFF, s11;
	p1 =	sgt.s32 @!p0 s14, $0x7;
	s19 =	sshra.s32 @!p0 s14, $0x1F  }
0x34: {  	s20 =	sshra.s32 @!p0 s13, $0x1F;
	s1 =	smulhi.u32 @!p0 $0x2492493, s0;
	p1 =	por !p1, p0  }
0x35: {  	s19 =	sand.u32 @!p0 s19, s14;
	s20 =	sand.u32 @!p0 s20, s13;
	s18 =	simm.s32 @p1 $0x7  }
0x36: {  	p1 =	sgt.s32 @!p0 s13, $0xDF;
	s1 =	sshrl.u32 @!p0 s1, $0x1;
	s18 =	ssub.s32 @!p0 s18, s19  }
0x37: {  	p1 =	por !p1, p0;
	s19 =	smov.u32 s13;
	s1 =	smul.u32 @!p0 $0xE0, s1  }
0x38: {  	s19 =	simm.s32 @p1 $0xDF;
	p1 =	sgt.s32 @!p0 s11, $0x60;
	s18 =	sadd.s32 @!p0 $0xFFFFFFF9, s18  }
0x39: {  	s19 =	ssub.s32 @!p0 s19, s20;
	p1 =	por !p1, p0;
	s20 =	smov.u32 s11  }
0x3a: {  	p2 =	sgt.s32 @!p0 s18, $0x0;
	s18 =	sshll.u32 @!p0 s18, $0x7;
	s21 =	sadd.s32 @!p0 $0xFFFFFF21, s19  }
0x3b: {  	s20 =	simm.s32 @p1 $0x60;
	p1 =	sgt.s32 @!p0 s21, $0x0;
	s21 =	sshra.s32 @!p0 s11, $0x1F  }
0x3c: {  	s19 =	ssub.s32 @!p0 $0xE0, s19;
	s18 =	ssub.s32 @!p0 $0x80, s18;
	s21 =	sand.u32 @!p0 s21, s11  }
0x3d: {  	p2 =	por !p2, p0;
	p1 =	por !p1, p0;
	s20 =	ssub.s32 @!p0 s20, s21  }
0x3e: {  	s18 =	simm.s32 @!p2 $0x0;
	s19 =	simm.s32 @!p1 $0x0;
	s21 =	sadd.s32 @!p0 $0xFFFFFFA0, s20  }
0x3f: {  	s0 =	ssub.s32 @!p0 s0, s1;
	s18 =	smul.u32 @!p0 s19, s18;
	p1 =	sgt.s32 @!p0 s21, $0x7F  }
0x40: {  	s19 =	ssub.s32 @!p0 $0xE0, s20;
	s20 =	smul.u32 @!p0 $0xC4000, s14;
	p1 =	por !p1, p0  }
0x41: {  	s1 =	smul.u32 @!p0 $0xE00, s13;
	s21 =	sxor.u32 @!p0 $0xFFFFFFFF, s9;
	s19 =	simm.s32 @!p1 $0x0  }
0x42: {  	s21 =	sshll.u32 @!p0 s21, $0xE;
	s18 =	smul.u32 @!p0 s19, s18;
	s19 =	sadd.s32 @!p0 s6, s20  }
0x43: {  	s0 =	sshll.u32 @!p0 s0, $0x4;
	s20 =	sand.u32 @!p0 $0x4000, s21;
	s1 =	sadd.s32 @!p0 s1, s19  }
0x44: {  	s18 =	sand.u32 @!p0 $0x3FFFFF80, s18;
	s0 =	sadd.s32 @!p0 s0, s1;
	s1 =	simm.s32 @!p0 $0x0  }
0x45: {  	[tilespmem:s20], [sflag:$0x1] =	stream.linear.gather @!p0 [hbm4b:s0+s1], s18, $0x38;
	[tilespmem:$0x10100] =	vst v63  }
0x46: {  	p0 =	seq.s32 s9, $0x0  }
0x47: {  	p1 =	seq.s32 @!p0 s9, $0x71  }
0x48: {  	p0 =	por p0, p1  }
.Ltmp2:
0x49: {  	_ = 	snop;
	(pc) =	sbr.rel @p0 .LBB1_10-.Ltmp2, $1  }
0x4a: {  	_ =	sdelay $0x3  }
0x4b: {  	p0 =	sgt.s32 s12, $0x7;
	s0 =	smov.u32 s12;
	s1 =	sshra.s32 s12, $0x1F  }
0x4c: {  	s18 =	sshra.s32 s10, $0x1F;
	s26 =	ssub.s32 $0x0, s8;
	s27 =	sshra.s32 s8, $0x1F  }
0x4d: {  	p1 =	sgt.s32 s8, $0x60;
	s20 =	smov.u32 s8;
	s0 =	simm.s32 @!p0 $0x7  }
0x4e: {  	s1 =	sand.u32 s1, s12;
	p0 =	sgt.s32 s10, $0xDF;
	s18 =	sand.u32 s18, s10  }
0x4f: {  	s20 =	simm.s32 @!p1 $0x60;
	s0 =	ssub.s32 s0, s1;
	s1 =	smov.u32 s10  }
0x50: {  	s19 =	sadd.s32 $0xFFFFFFF9, s0;
	s1 =	simm.s32 @!p0 $0xDF;
	s0 =	ssub.s32 $0x8, s0  }
0x51: {  	p0 =	sgt.s32 s19, $0x0;
	s1 =	ssub.s32 s1, s18;
	s19 =	sand.u32 s26, s27  }
0x52: {  	s21 =	sadd.s32 $0xFFFFFF21, s1;
	s1 =	ssub.s32 $0xE0, s1;
	s18 =	sadd.s32 s19, s20  }
0x53: {  	s0 =	simm.s32 @p0 $0x0;
	p1 =	sgt.s32 s21, $0x0;
	s20 =	sadd.s32 $0xFFFFFFA0, s18  }
0x54: {  	s1 =	simm.s32 @p1 $0x0;
	s28 =	sshll.u32 s20, $0x7;
	p0 =	sgt.s32 s20, $0x7F  }
0x55: {  	s18 =	smul.u32 s0, s1;
	s0 =	ssub.s32 $0x4000, s28;
	s1 =	sadd.s32 $0x1, s12  }
0x56: {  	s20 =	sadd.s32 $0x1, s10;
	s0 =	simm.s32 @p0 $0x0;
	p0 =	slt.s32 s1, $0x8  }
0x57: {  	s1 =	simm.s32 @!p0 $0x8;
	p0 =	slt.s32 s20, $0xE0  }
0x58: {  	s21 =	ssub.s32 s1, s12;
	s20 =	simm.s32 @!p0 $0xE0;
	s1 =	sadd.s32 $0x80, s8  }
0x59: {  	s22 =	ssub.s32 s20, s10;
	p1 =	slt.s32 s1, $0xE0;
	p0 =	slt.s32 s21, $0x1  }
0x5a: {  	s1 =	simm.s32 @!p1 $0xE0;
	p1 =	slt.s32 @!p0 s22, $0x1  }
0x5b: {  	s23 =	ssub.s32 s1, s8;
	p1 =	por p0, p1  }
0x5c: {  	p2 =	slt.s32 @!p1 s23, $0x1  }
0x5d: {  	s0 =	smul.u32 s18, s0;
	p1 =	por p1, p2  }
.Ltmp3:
0x5e: {  	_ = 	snop;
	(pc) =	sbr.rel @p1 .LBB1_9-.Ltmp3, $4  }
0x5f: {  	s2 =	simm.s32 $0x1;
	s29 =	sand.u32 $0x3FFFFF80, s0;
	s0 =	sand.u32 $0x1, s9  }
0x60: {  	_ =	swait.ge [sflag:s2], s29;
	s31 =	smul.u32 $0x4080, s0  }
0x61: {  	s30 =	ssub.s32 $0x0, s29;
	[sflag:s2] =	ssyncset.done $0x0  }
0x62: {  	[sflag:s2] =	ssyncadd.s32 s30;
	[dreg:$0x6] =	wrdreg s31  }
0x63: {  	s24 =	sshll.u32 @!p0 s0, $0xE;
	s0 =	rddreg [dreg:$0x6]  }
0x64: {  	s26 =	simm.s32 $0x0;
	s25 =	sor.u32 @!p0 $0x8000, s0  }
.LBB1_4:
0x65: {  	s27 =	simm.s32 $0x0  }
.LBB1_5:
0x66: {  	s0 =	sadd.s32 s26, s27  }
0x67: {  	s1 =	sshll.u32 s0, $0x10  }
0x68: {  	s1 =	sshra.s32 s1, $0x2  }
0x69: {  	s1 =	sadd.s32 s1, s24  }
0x6a: {  	s29 =	simm.s32 $0x0;
	s7 =	simm.s32 $0x0;
	s0 =	smul.u32 $0x10200, s0;
	v0 =	vmov s1  }
0x6b: {  	s31 =	simm.s32 $0x10;
	s4 =	simm.s32 $0x30;
	s3 =	simm.s32 $0x50  }
0x6c: {  	s31 =	sand.u32 $0x78, s31;
	s4 =	sand.u32 $0x78, s4;
	s0 =	sshra.s32 s0, $0x2  }
0x6d: {  	s31 =	smul.u32 $0x204, s31;
	s28 =	sadd.s32 s0, s25;
	s0 =	sand.u32 $0x78, s7  }
0x6e: {  	s4 =	smul.u32 $0x204, s4;
	s1 =	sand.u32 $0x3F80, s29;
	s2 =	sxor.u32 $0x40, s0  }
0x6f: {  	s30 =	simm.s32 $0x1;
	s3 =	sand.u32 $0x78, s3;
	s2 =	smul.u32 $0x204, s2;
	v1 =	vld.idx.msk [tilespmem:v0+s1+$0x40 ss:$0x1], $0xffff  }
0x70: {  	p0 =	sne.s32 s23, $0x1;
	s5 =	sand.u32 $0x7F, s29;
	s3 =	smul.u32 $0x204, s3  }
0x71: {  	s7 =	simm.s32 $0x20;
	s0 =	smul.u32 $0x204, s0;
	s2 =	sshrl.u32 s2, $0x2;
	v2 =	vld.idx.msk [tilespmem:v0+s1+$0x0 ss:$0x1], $0xffff  }
0x72: {  	s31 =	sshrl.u32 s31, $0x2;
	s7 =	sand.u32 $0x78, s7;
	v3 =	vld.idx.msk [tilespmem:v0+s1+$0x10 ss:$0x1], $0xffff;
	s2 =	sadd.s32 s2, s28  }
0x73: {  	s7 =	smul.u32 $0x204, s7;
	s0 =	sshrl.u32 s0, $0x2;
	v4 =	vld.idx.msk [tilespmem:v0+s1+$0x20 ss:$0x1], $0xffff;
	s2 =	sadd.s32 s5, s2  }
.Ltmp4:
0x74: {  	s4 =	sshrl.u32 s4, $0x2;
	s0 =	sadd.s32 s0, s28;
	[tilespmem:s2+$0x0 ss:$0x81] =	vst.msk $0xffff, v1;
	v1 =	vld.idx.msk [tilespmem:v0+s1+$0x30 ss:$0x1], $0xffff;
	(pc) =	sbr.rel @!p0 .LBB1_7-.Ltmp4, $4  }
0x75: {  	s20 =	sadd.s32 s31, s28;
	s7 =	sshrl.u32 s7, $0x2;
	s0 =	sadd.s32 s5, s0  }
0x76: {  	s3 =	sshrl.u32 s3, $0x2;
	s7 =	sadd.s32 s7, s28;
	[tilespmem:s0+$0x0 ss:$0x81] =	vst.msk $0xffff, v2;
	s2 =	sadd.s32 s5, s20;
	v2 =	vld.idx.msk [tilespmem:v0+s1+$0x50 ss:$0x1], $0xffff  }
0x77: {  	s6 =	sadd.s32 s4, s28;
	s20 =	sadd.s32 s5, s7;
	[tilespmem:s2+$0x0 ss:$0x81] =	vst.msk $0xffff, v3;
	s2 =	sadd.s32 s3, s28  }
0x78: {  	s31 =	simm.s32 $0x2808;
	s1 =	sadd.s32 s5, s6;
	[tilespmem:s20+$0x0 ss:$0x81] =	vst.msk $0xffff, v4;
	s0 =	sadd.s32 s5, s2  }
.LBB1_6:
0x79: {  	s2 =	sadd.s32 $0xFFFFD800, s31;
	s3 =	sadd.s32 $0xFFFFE000, s31;
	[tilespmem:s1+$0x0 ss:$0x81] =	vst.msk $0xffff, v1;
	s1 =	smov.u32 s30  }
0x7a: {  	s30 =	sadd.s32 $0x1, s30;
	s29 =	sadd.s32 $0x80, s29;
	s4 =	sadd.s32 $0xFFFFE800, s31  }
0x7b: {  	s5 =	sadd.s32 $0xFFFFF000, s31;
	s2 =	sshrl.u32 s2, $0x7;
	p0 =	sne.s32 s23, s30;
	[tilespmem:s0+$0x0 ss:$0x81] =	vst.msk $0xffff, v2  }
0x7c: {  	s6 =	sshrl.u32 s31, $0x7;
	s0 =	sand.u32 $0x3F80, s29;
	s2 =	sand.u32 $0x78, s2  }
0x7d: {  	s3 =	sshrl.u32 s3, $0x7;
	s4 =	sshrl.u32 s4, $0x7;
	v3 =	vld.idx.msk [tilespmem:v0+s0+$0x40 ss:$0x1], $0xffff;
	s7 =	sxor.u32 $0x40, s2  }
0x7e: {  	s5 =	sshrl.u32 s5, $0x7;
	s6 =	sand.u32 $0x78, s6;
	v4 =	vld.idx.msk [tilespmem:v0+s0+$0x0 ss:$0x1], $0xffff;
	s7 =	smul.u32 $0x204, s7  }
0x7f: {  	s20 =	sand.u32 $0x7F, s1;
	s3 =	sand.u32 $0x78, s3;
	s4 =	sand.u32 $0x78, s4;
	v5 =	vld.idx.msk [tilespmem:v0+s0+$0x10 ss:$0x1], $0xffff  }
0x80: {  	s5 =	sand.u32 $0x78, s5;
	s1 =	smul.u32 $0x204, s2;
	v6 =	vld.idx.msk [tilespmem:v0+s0+$0x20 ss:$0x1], $0xffff;
	s7 =	sshrl.u32 s7, $0x2  }
0x81: {  	s3 =	smul.u32 $0x204, s3;
	v1 =	vld.idx.msk [tilespmem:v0+s0+$0x30 ss:$0x1], $0xffff;
	s2 =	sadd.s32 s7, s28  }
0x82: {  	s2 =	sadd.s32 s20, s2;
	v2 =	vld.idx.msk [tilespmem:v0+s0+$0x50 ss:$0x1], $0xffff;
	s0 =	sshrl.u32 s1, $0x2;
	s1 =	smul.u32 $0x204, s4  }
0x83: {  	s4 =	smul.u32 $0x204, s6;
	[tilespmem:s2+$0x0 ss:$0x81] =	vst.msk $0xffff, v3  }
0x84: {  	s0 =	sadd.s32 s0, s28;
	s2 =	sshrl.u32 s3, $0x2;
	s3 =	smul.u32 $0x204, s5  }
.Ltmp5:
0x85: {  	s2 =	sadd.s32 s2, s28;
	s1 =	sshrl.u32 s1, $0x2;
	(pc) =	sbr.rel @p0 .LBB1_6-.Ltmp5, $4  }
0x86: {  	s0 =	sadd.s32 s20, s0;
	s1 =	sadd.s32 s1, s28;
	s3 =	sshrl.u32 s3, $0x2  }
0x87: {  	[tilespmem:s0+$0x0 ss:$0x81] =	vst.msk $0xffff, v4;
	s0 =	sadd.s32 s20, s2;
	s2 =	sadd.s32 s3, s28;
	s3 =	sshrl.u32 s4, $0x2  }
0x88: {  	[tilespmem:s0+$0x0 ss:$0x81] =	vst.msk $0xffff, v5;
	s0 =	sadd.s32 s20, s1;
	s1 =	sadd.s32 s20, s2;
	s2 =	sadd.s32 s3, s28  }
0x89: {  	s31 =	sadd.s32 $0x8, s31;
	[tilespmem:s0+$0x0 ss:$0x81] =	vst.msk $0xffff, v6;
	s0 =	sadd.s32 s20, s2  }
.LBB1_7:
0x8a: {  	s27 =	sadd.s32 $0x1, s27  }
0x8b: {  	p0 =	sne.s32 s27, s22  }
.Ltmp6:
0x8c: {  	_ = 	snop;
	(pc) =	sbr.rel @p0 .LBB1_5-.Ltmp6, $3  }
0x8d: {  	_ =	sdelay $0x1  }
0x8e: {  	[tilespmem:s1+$0x0 ss:$0x81] =	vst.msk $0xffff, v1  }
0x8f: {  	[tilespmem:s0+$0x0 ss:$0x81] =	vst.msk $0xffff, v2  }
0x90: {  	s26 =	sadd.s32 $0x1, s26  }
0x91: {  	p0 =	sne.s32 s26, s21  }
.Ltmp7:
0x92: {  	_ = 	snop;
	(pc) =	sbr.rel @p0 .LBB1_4-.Ltmp7, $4  }
.Ltmp8:
0x93: {  	_ = 	snop;
	(pc) =	sbr.rel @!p0 .LBB1_9-.Ltmp8, $4  }
0x94: {  	_ = 	snop  }
0x95: {  	_ = 	snop  }
0x96: {  	_ = 	snop  }
0x97: {  	_ = 	snop  }
.LBB1_11:
0x98: {  	_ =	sfence.sel $0x180000  }
0x99: {  	s0 =	simm.s32 $0x1;
	[bflag:$0x0] =	sbarrier.arrive $0xFFFF  }
0x9a: {  	s30 =	simm.s32 $0x2;
	[sflag:s0] =	ssyncpa.u1 $0x1  }
0x9b: {  	[sflag:s30] =	ssyncpa.u1 $0x1  }
0x9c: {  	_ =	strace $0x9000004A  }
0x9d: {  	s31 =	stileid.u32;
	[bflag:$0x2] =	sbarrier.arrive $0xFFFF  }
0x9e: {  	p0 =	sne.s32 s31, $0x0;
	s0 =	rddreg [dreg:$0x2]  }
0x9f: {  	s0 =	sadd.s32 @!p0 $0x100000, s0  }
0xa0: {  	[sflag:s0] =	ssyncadd.tile.s32 @!p0 $0x1;
	_ =	shalt  }
.Lfunc_end1:
_tile_overlayer_lowered:
.L_overlay_start_2:
0xa1: {  	(tag) =	ssettag $0x2  }
0xa2: {  	s0 =	rddreg [dreg:$0x0];
	s2 =	stileid.u32  }
0xa3: {  	s1 =	rddreg [dreg:$0x1];
	p0 =	sne.s32 s2, $0x0  }
0xa4: {  	s3 =	rddreg [dreg:$0x2];
	[bflag:$0x3] =	sbarrier.arrive $0xFFFF;
	s2 =	simm.s32 @!p0 $0x1C01  }
0xa5: {  	[timem:s3], [sflag:s2] =	dma.local @!p0 [hbm:s0], s1  }
0xa6: {  	s0 =	simm.s32 @!p0 $0x1  }
0xa7: {  	_ =	swait.ge @!p0 [sflag:s0], s1  }
0xa8: {  	s1 =	ssub.s32 @!p0 $0x0, s1;
	[sflag:s0] =	ssyncset.done @!p0 $0x0  }
0xa9: {  	[sflag:s0] =	ssyncadd.s32 @!p0 s1  }
0xaa: {  	[bflag:$0x3] =	sbarrier.arrive $0xFFFF  }
0xab: {  	_ =	shalt  }

</sc_bundles>
